<compile_context>
chip_gen: v7x
topology: tpu7x:2x2x1
jax: 0.10.2.dev20260603
libtpu: 0.0.44.dev20260713+nightly
codegen_flags: <defaults>
</compile_context>

<pallas_src>
import functools

import jax
import jax.numpy as jnp
from jax import lax
from jax.experimental import pallas as pl
from jax.experimental.pallas import tpu as pltpu
from jax.experimental.pallas import tpu_sc as plsc

KNN = 3
NBLK = 1024
SC_G = 32


def _dotg(a, b, dims):
    return jax.lax.dot_general(a, b, (dims, ((), ())),
                               preferred_element_type=jnp.float32)


def _k1_body(uc_ref, kcs_ref, idx_ref, w_ref, *, m_per_b):
    uc = uc_ref[0]
    kcs = kcs_ref[0]
    n, m = uc.shape[1], kcs.shape[1]

    su = jnp.sum(uc * uc, axis=0, keepdims=True).T
    sv = 0.25 * jnp.sum(kcs * kcs, axis=0, keepdims=True)
    ndot2 = _dotg(uc, kcs, ((0,), (0,)))
    d = (su + sv) + ndot2

    v1 = jnp.min(d, axis=1, keepdims=True)
    d2 = jnp.where(d == v1, jnp.inf, d)
    v2 = jnp.min(d2, axis=1, keepdims=True)
    d3 = jnp.where(d2 == v2, jnp.inf, d2)
    v3 = jnp.min(d3, axis=1, keepdims=True)
    dists = [v1, v2, v3]

    wk = [1.0 / (jnp.maximum(v, 0.0) + 1e-8) for v in dists]
    ws = (wk[0] + wk[1]) + wk[2]
    wn = [w / ws for w in wk]

    iota = jax.lax.broadcasted_iota(jnp.int32, (n, m), 1)
    big = jnp.int32(m)
    off = pl.program_id(0) * m_per_b
    i1 = jnp.min(jnp.where(d == v1, iota, big), axis=1, keepdims=True)
    i2 = jnp.min(jnp.where(d2 == v2, iota, big), axis=1, keepdims=True)
    i3 = jnp.min(jnp.where(d3 == v3, iota, big), axis=1, keepdims=True)
    idx_ref[0] = jnp.concatenate([i1, i2, i3], axis=1) + off
    w_ref[0] = jnp.concatenate(wn, axis=1)


def _k2_body(inter_ref, uf_ref, w1ta_ref, w1tb_ref, b1_ref, y1_ref, s1_ref):
    y1 = (jnp.dot(inter_ref[0], w1ta_ref[...],
                  preferred_element_type=jnp.float32)
          + _dotg(uf_ref[0], w1tb_ref[...], ((0,), (0,)))
          + b1_ref[...])
    y1_ref[0] = y1
    s1_ref[0, 0, 0:1, :] = jnp.sum(y1, axis=0, keepdims=True)
    s1_ref[0, 0, 1:2, :] = jnp.sum(y1 * y1, axis=0, keepdims=True)


def _bn_relu(y, stats, g_ref, be_ref, count):
    ssum = jnp.sum(stats[:, :, 0, :], axis=(0, 1), keepdims=False)
    ssq = jnp.sum(stats[:, :, 1, :], axis=(0, 1), keepdims=False)
    mu = (ssum / count)[None, :]
    var = (ssq / count)[None, :] - mu * mu
    rstd = jax.lax.rsqrt(var + 1e-5)
    z = (y - mu) * rstd * g_ref[...] + be_ref[...]
    return jnp.maximum(z, 0.0)


def _k3_body(y1_ref, s1_ref, g1_ref, be1_ref, w2t_ref, b2_ref, y2_ref, s2_ref,
             *, count):
    z = _bn_relu(y1_ref[0], s1_ref[...], g1_ref, be1_ref, count)
    y2 = jnp.dot(z, w2t_ref[...], preferred_element_type=jnp.float32) + b2_ref[...]
    y2_ref[0] = y2
    s2_ref[0, 0, 0:1, :] = jnp.sum(y2, axis=0, keepdims=True)
    s2_ref[0, 0, 1:2, :] = jnp.sum(y2 * y2, axis=0, keepdims=True)


def _k4_body(y2_ref, s2_ref, g2_ref, be2_ref, out_ref, *, count):
    z = _bn_relu(y2_ref[0], s2_ref[...], g2_ref, be2_ref, count)
    out_ref[0] = z.T


def _sc_gather_combine(kf_flat, idxf, wf, P, C2):
    info = pltpu.get_tpu_info().sparse_core
    NC, NS = info.num_cores, info.num_subcores
    NW = NC * NS
    pw = P // NW
    G = SC_G
    mesh = plsc.VectorSubcoreMesh(core_axis_name="c", subcore_axis_name="s")
    f32 = jnp.float32

    @functools.partial(
        pl.kernel, mesh=mesh,
        out_type=jax.ShapeDtypeStruct((P, C2), f32),
        scratch_types=[
            pltpu.VMEM((G,), jnp.int32),
            pltpu.VMEM((G,), jnp.int32),
            pltpu.VMEM((G,), jnp.int32),
            pltpu.VMEM((G, C2), f32),
            pltpu.VMEM((G, C2), f32),
            pltpu.VMEM((G, C2), f32),
            pltpu.VMEM((G, C2), f32),
            pltpu.VMEM((3 * G + 16,), f32),
            pltpu.SemaphoreType.DMA,
        ],
    )
    def sc_k(kf_hbm, idx_hbm, w_hbm, out_hbm,
             i0, i1, i2, r0, r1, r2, ro, wv, sem):
        wid = lax.axis_index("s") * NC + lax.axis_index("c")
        base = wid * pw

        @pl.loop(0, pw, step=G)
        def _(off):
            b0 = base + off
            pltpu.sync_copy(idx_hbm.at[pl.ds(0 * P + b0, G)], i0)
            pltpu.sync_copy(idx_hbm.at[pl.ds(1 * P + b0, G)], i1)
            pltpu.sync_copy(idx_hbm.at[pl.ds(2 * P + b0, G)], i2)
            pltpu.sync_copy(w_hbm.at[pl.ds(0 * P + b0, G)],
                            wv.at[pl.ds(0, G)])
            pltpu.sync_copy(w_hbm.at[pl.ds(1 * P + b0, G)],
                            wv.at[pl.ds(G, G)])
            pltpu.sync_copy(w_hbm.at[pl.ds(2 * P + b0, G)],
                            wv.at[pl.ds(2 * G, G)])
            pltpu.async_copy(kf_hbm.at[i0], r0, sem).wait()
            pltpu.async_copy(kf_hbm.at[i1], r1, sem).wait()
            pltpu.async_copy(kf_hbm.at[i2], r2, sem).wait()

            @pl.loop(0, G)
            def _(r):
                w0 = wv[pl.ds(r, 16)][0]
                w1 = wv[pl.ds(G + r, 16)][0]
                w2 = wv[pl.ds(2 * G + r, 16)][0]

                @pl.loop(0, C2, step=16)
                def _(c):
                    slc = (r, pl.ds(c, 16))
                    ro.at[*slc][...] = (w0 * r0.at[*slc][...]
                                        + w1 * r1.at[*slc][...]
                                        + w2 * r2.at[*slc][...])

            pltpu.sync_copy(ro, out_hbm.at[pl.ds(b0, G)])

    return sc_k(kf_flat, idxf, wf)


def kernel(unknown_coords, known_coords, unknown_feats, known_feats,
           W1, b1, g1, be1, W2, b2, g2, be2):
    B, _, n = unknown_coords.shape
    m = known_coords.shape[2]
    C1 = unknown_feats.shape[1]
    C2 = known_feats.shape[1]
    CO1 = W1.shape[0]
    CO2 = W2.shape[0]
    nb = n // NBLK
    P = B * n
    count = float(B * n)

    w1ta = W1[:, :C2].T
    w1tb = W1[:, C2:].T
    w2t = W2.T
    b1r = b1.reshape(1, CO1)
    g1r = g1.reshape(1, CO1)
    be1r = be1.reshape(1, CO1)
    b2r = b2.reshape(1, CO2)
    g2r = g2.reshape(1, CO2)
    be2r = be2.reshape(1, CO2)

    grid = (B, nb)
    f32 = jnp.float32

    idx, w = pl.pallas_call(
        functools.partial(_k1_body, m_per_b=m),
        grid=grid,
        in_specs=[
            pl.BlockSpec((1, 3, NBLK), lambda b, i: (b, 0, i)),
            pl.BlockSpec((1, 3, m), lambda b, i: (b, 0, 0)),
        ],
        out_specs=[
            pl.BlockSpec((1, NBLK, KNN), lambda b, i: (b, i, 0)),
            pl.BlockSpec((1, NBLK, KNN), lambda b, i: (b, i, 0)),
        ],
        out_shape=[
            jax.ShapeDtypeStruct((B, n, KNN), jnp.int32),
            jax.ShapeDtypeStruct((B, n, KNN), f32),
        ],
    )(unknown_coords, -2.0 * known_coords)

    kf_flat = known_feats.transpose(0, 2, 1).reshape(P // n * m, C2)
    idxf = idx.transpose(2, 0, 1).reshape(KNN * P)
    wf = w.transpose(2, 0, 1).reshape(KNN * P)
    inter = _sc_gather_combine(kf_flat, idxf, wf, P, C2).reshape(B, n, C2)

    y1, s1 = pl.pallas_call(
        _k2_body,
        grid=grid,
        in_specs=[
            pl.BlockSpec((1, NBLK, C2), lambda b, i: (b, i, 0)),
            pl.BlockSpec((1, C1, NBLK), lambda b, i: (b, 0, i)),
            pl.BlockSpec((C2, CO1), lambda b, i: (0, 0)),
            pl.BlockSpec((C1, CO1), lambda b, i: (0, 0)),
            pl.BlockSpec((1, CO1), lambda b, i: (0, 0)),
        ],
        out_specs=[
            pl.BlockSpec((1, NBLK, CO1), lambda b, i: (b, i, 0)),
            pl.BlockSpec((1, 1, 2, CO1), lambda b, i: (b, i, 0, 0)),
        ],
        out_shape=[
            jax.ShapeDtypeStruct((B, n, CO1), f32),
            jax.ShapeDtypeStruct((B, nb, 2, CO1), f32),
        ],
    )(inter, unknown_feats, w1ta, w1tb, b1r)

    y2, s2 = pl.pallas_call(
        functools.partial(_k3_body, count=count),
        grid=grid,
        in_specs=[
            pl.BlockSpec((1, NBLK, CO1), lambda b, i: (b, i, 0)),
            pl.BlockSpec((B, nb, 2, CO1), lambda b, i: (0, 0, 0, 0)),
            pl.BlockSpec((1, CO1), lambda b, i: (0, 0)),
            pl.BlockSpec((1, CO1), lambda b, i: (0, 0)),
            pl.BlockSpec((CO1, CO2), lambda b, i: (0, 0)),
            pl.BlockSpec((1, CO2), lambda b, i: (0, 0)),
        ],
        out_specs=[
            pl.BlockSpec((1, NBLK, CO2), lambda b, i: (b, i, 0)),
            pl.BlockSpec((1, 1, 2, CO2), lambda b, i: (b, i, 0, 0)),
        ],
        out_shape=[
            jax.ShapeDtypeStruct((B, n, CO2), f32),
            jax.ShapeDtypeStruct((B, nb, 2, CO2), f32),
        ],
    )(y1, s1, g1r, be1r, w2t, b2r)

    out = pl.pallas_call(
        functools.partial(_k4_body, count=count),
        grid=grid,
        in_specs=[
            pl.BlockSpec((1, NBLK, CO2), lambda b, i: (b, i, 0)),
            pl.BlockSpec((B, nb, 2, CO2), lambda b, i: (0, 0, 0, 0)),
            pl.BlockSpec((1, CO2), lambda b, i: (0, 0)),
            pl.BlockSpec((1, CO2), lambda b, i: (0, 0)),
        ],
        out_specs=pl.BlockSpec((1, CO2, NBLK), lambda b, i: (b, 0, i)),
        out_shape=jax.ShapeDtypeStruct((B, CO2, n), f32),
    )(y2, s2, g2r, be2r)
    return out

# --- scband reference (transcript-rebuilt; emitter-appended) ---
"""Pipeline reference for scband-fp-basic-block-57973468561409 (READ-ONLY COPY).

The authoritative reference and input builder live on the scoring server;
editing this copy changes nothing except your own understanding.
"""

import jax, jax.numpy as jnp
import numpy as np

K_NEIGHBORS = 3

def knn_interpolate(unknown_coords, known_coords, known_feats, k):
    # unknown_coords: [B,3,n], known_coords: [B,3,m], known_feats: [B,C,m]
    # squared pairwise distances via |u|^2 + |v|^2 - 2 u.v  -> [B,n,m]
    d = (jnp.sum(unknown_coords * unknown_coords, axis=1)[:, :, None]
         + jnp.sum(known_coords * known_coords, axis=1)[:, None, :]
         - 2.0 * jnp.einsum('bcn,bcm->bnm', unknown_coords, known_coords))
    neg_d, idx = jax.lax.top_k(-d, k)            # k nearest -> [B,n,k]
    dist = jnp.maximum(-neg_d, 0.0)
    w = 1.0 / (dist + 1e-8)
    w = w / jnp.sum(w, axis=-1, keepdims=True)    # [B,n,k]
    # gather known feats: [B,C,m] indexed by [B,n,k] -> [B,C,n,k]
    feats = jnp.take_along_axis(known_feats[:, :, None, :], idx[:, None, :, :], axis=-1)
    return jnp.sum(feats * w[:, None, :, :], axis=-1)  # [B,C,n]

def conv_bn_relu(x, W, b, g, be):
    # 1x1 conv over [B,C,n] + BatchNorm (training-mode batch stats) + ReLU
    y = jnp.einsum('oc,bcn->bon', W, x) + b[None, :, None]
    mu = jnp.mean(y, axis=(0, 2), keepdims=True)
    var = jnp.var(y, axis=(0, 2), keepdims=True)
    y = (y - mu) / jnp.sqrt(var + 1e-5) * g[None, :, None] + be[None, :, None]
    return jax.nn.relu(y)

def setup_inputs(seed: int = 0) -> dict:
    key = jax.random.key(seed)
    ks = jax.random.split(key, 8)
    B, n, m, C1, C2 = 8, 8192, 2048, 128, 256
    inp = {}
    inp['unknown_coords'] = jax.random.normal(ks[0], (B, 3, n), dtype=jnp.float32)
    inp['known_coords'] = jax.random.normal(ks[1], (B, 3, m), dtype=jnp.float32)
    inp['unknown_feats'] = jax.random.normal(ks[2], (B, C1, n), dtype=jnp.float32)
    inp['known_feats'] = jax.random.normal(ks[3], (B, C2, m), dtype=jnp.float32)
    # mlp = [384, 256, 256]: two (conv1x1 + BN) blocks
    inp['W1'] = jax.random.normal(ks[4], (256, 384), dtype=jnp.float32) * 0.05
    inp['b1'] = jnp.zeros((256,), dtype=jnp.float32)
    inp['g1'] = jnp.ones((256,), dtype=jnp.float32)
    inp['be1'] = jnp.zeros((256,), dtype=jnp.float32)
    inp['W2'] = jax.random.normal(ks[5], (256, 256), dtype=jnp.float32) * 0.05
    inp['b2'] = jnp.zeros((256,), dtype=jnp.float32)
    inp['g2'] = jnp.ones((256,), dtype=jnp.float32)
    inp['be2'] = jnp.zeros((256,), dtype=jnp.float32)
    return inp

def reference(unknown_coords, known_coords, unknown_feats, known_feats,
              W1, b1, g1, be1, W2, b2, g2, be2):
    inter_feats = knn_interpolate(unknown_coords, known_coords, known_feats, K_NEIGHBORS)
    x = jnp.concatenate([inter_feats, unknown_feats], axis=1)  # [B, 384, n]
    x = conv_bn_relu(x, W1, b1, g1, be1)
    x = conv_bn_relu(x, W2, b2, g2, be2)
    return x  # [B, 256, n]

if __name__ == "__main__":
    import jax
    _d = setup_inputs()
    print(jax.jit(kernel)(*tuple(_d.values())))

</pallas_src>

<mosaic_0001>
#map = affine_map<(d0, d1) -> (0, 0)>
#map1 = affine_map<(d0, d1) -> (0)>
module attributes {stable_mosaic.version = 14 : i64} {
  func.func @sc_k(%arg0: i32, %arg1: i32, %arg2: memref<16384x256xf32, #tpu.memory_space<hbm>>, %arg3: memref<196608xi32, #tpu.memory_space<hbm>>, %arg4: memref<196608xf32, #tpu.memory_space<hbm>>, %arg5: memref<65536x256xf32, #tpu.memory_space<hbm>>, %arg6: memref<32xi32, #tpu.memory_space<vmem>>, %arg7: memref<32xi32, #tpu.memory_space<vmem>>, %arg8: memref<32xi32, #tpu.memory_space<vmem>>, %arg9: memref<32x256xf32, #tpu.memory_space<vmem>>, %arg10: memref<32x256xf32, #tpu.memory_space<vmem>>, %arg11: memref<32x256xf32, #tpu.memory_space<vmem>>, %arg12: memref<32x256xf32, #tpu.memory_space<vmem>>, %arg13: memref<112xf32, #tpu.memory_space<vmem>>, %arg14: memref<!tpu.dma_semaphore, #tpu.memory_space<semaphore_mem>>) attributes {dimension_semantics = [#tpu.dimension_semantics<core_parallel>, #tpu.dimension_semantics<subcore_parallel>], iteration_bounds = array<i64: 2, 16>, scalar_prefetch = 0 : i64, scratch_operands = 9 : i64, tpu.core_type = #tpu.core_type<sc_vector_subcore>, window_params = [{transform_indices = #map}, {transform_indices = #map1}, {transform_indices = #map1}, {transform_indices = #map}]} {
    %mul3A = arith.constant 2 : i32
    %mul3A_0 = arith.muli %arg1, %mul3A : i32
    %add3A = arith.addi %mul3A_0, %arg0 : i32
    %mul3A_1 = arith.constant 2048 : i32
    %mul3A_2 = arith.muli %add3A, %mul3A_1 : i32
    %scan3A = arith.constant 0 : i32
    %scan3A_3 = arith.constant 64 : i32
    %scan3A_4 = arith.addi %scan3A, %scan3A_3 : i32
    %scan3A_5 = arith.constant 1 : i32
    scf.for %scan3A_7 = %scan3A to %scan3A_4 step %scan3A_5  : i32 {
      %mul3A_8 = arith.constant 32 : i32
      %mul3A_9 = arith.muli %scan3A_7, %mul3A_8 : i32
      %add3A_10 = arith.constant 0 : i32
      %add3A_11 = arith.addi %add3A_10, %mul3A_9 : i32
      %add3A_12 = arith.addi %mul3A_2, %add3A_11 : i32
      %add3A_13 = arith.constant 0 : i32
      %add3A_14 = arith.addi %add3A_13, %add3A_12 : i32
      "tpu.region"() ({
        %run_scoped3A = tpu.sem_alloc : memref<!tpu.dma_semaphore, #tpu.memory_space<semaphore_mem>>
        %dma_start3A_46 = tpu.memref_slice %arg3[%add3A_14] : memref<196608xi32, #tpu.memory_space<hbm>> -> memref<32xi32, #tpu.memory_space<hbm>>
        %dma_start3A_47 = tpu.memref_slice %arg3[%add3A_14] : memref<196608xi32, #tpu.memory_space<hbm>> -> memref<32xi32, #tpu.memory_space<hbm>>
        tpu.enqueue_dma source(%dma_start3A_47 : memref<32xi32, #tpu.memory_space<hbm>>) target(%arg6 : memref<32xi32, #tpu.memory_space<vmem>>) target_semaphore(%run_scoped3A : memref<!tpu.dma_semaphore, #tpu.memory_space<semaphore_mem>>)
        %dma_wait3A_48 = tpu.memref_slice %arg3[%add3A_14] : memref<196608xi32, #tpu.memory_space<hbm>> -> memref<32xi32, #tpu.memory_space<hbm>>
        %dma_wait3A_49 = tpu.memref_slice %arg3[%add3A_14] : memref<196608xi32, #tpu.memory_space<hbm>> -> memref<32xi32, #tpu.memory_space<hbm>>
        tpu.wait_dma2 semaphore(%run_scoped3A : memref<!tpu.dma_semaphore, #tpu.memory_space<semaphore_mem>>) src(%dma_wait3A_49 : memref<32xi32, #tpu.memory_space<hbm>>) dst(%arg6 : memref<32xi32, #tpu.memory_space<vmem>>)
        tpu.yield
      }) : () -> ()
      %add3A_15 = arith.constant 65536 : i32
      %add3A_16 = arith.addi %add3A_15, %add3A_12 : i32
      "tpu.region"() ({
        %run_scoped3A = tpu.sem_alloc : memref<!tpu.dma_semaphore, #tpu.memory_space<semaphore_mem>>
        %dma_start3A_46 = tpu.memref_slice %arg3[%add3A_16] : memref<196608xi32, #tpu.memory_space<hbm>> -> memref<32xi32, #tpu.memory_space<hbm>>
        %dma_start3A_47 = tpu.memref_slice %arg3[%add3A_16] : memref<196608xi32, #tpu.memory_space<hbm>> -> memref<32xi32, #tpu.memory_space<hbm>>
        tpu.enqueue_dma source(%dma_start3A_47 : memref<32xi32, #tpu.memory_space<hbm>>) target(%arg7 : memref<32xi32, #tpu.memory_space<vmem>>) target_semaphore(%run_scoped3A : memref<!tpu.dma_semaphore, #tpu.memory_space<semaphore_mem>>)
        %dma_wait3A_48 = tpu.memref_slice %arg3[%add3A_16] : memref<196608xi32, #tpu.memory_space<hbm>> -> memref<32xi32, #tpu.memory_space<hbm>>
        %dma_wait3A_49 = tpu.memref_slice %arg3[%add3A_16] : memref<196608xi32, #tpu.memory_space<hbm>> -> memref<32xi32, #tpu.memory_space<hbm>>
        tpu.wait_dma2 semaphore(%run_scoped3A : memref<!tpu.dma_semaphore, #tpu.memory_space<semaphore_mem>>) src(%dma_wait3A_49 : memref<32xi32, #tpu.memory_space<hbm>>) dst(%arg7 : memref<32xi32, #tpu.memory_space<vmem>>)
        tpu.yield
      }) : () -> ()
      %add3A_17 = arith.constant 131072 : i32
      %add3A_18 = arith.addi %add3A_17, %add3A_12 : i32
      "tpu.region"() ({
        %run_scoped3A = tpu.sem_alloc : memref<!tpu.dma_semaphore, #tpu.memory_space<semaphore_mem>>
        %dma_start3A_46 = tpu.memref_slice %arg3[%add3A_18] : memref<196608xi32, #tpu.memory_space<hbm>> -> memref<32xi32, #tpu.memory_space<hbm>>
        %dma_start3A_47 = tpu.memref_slice %arg3[%add3A_18] : memref<196608xi32, #tpu.memory_space<hbm>> -> memref<32xi32, #tpu.memory_space<hbm>>
        tpu.enqueue_dma source(%dma_start3A_47 : memref<32xi32, #tpu.memory_space<hbm>>) target(%arg8 : memref<32xi32, #tpu.memory_space<vmem>>) target_semaphore(%run_scoped3A : memref<!tpu.dma_semaphore, #tpu.memory_space<semaphore_mem>>)
        %dma_wait3A_48 = tpu.memref_slice %arg3[%add3A_18] : memref<196608xi32, #tpu.memory_space<hbm>> -> memref<32xi32, #tpu.memory_space<hbm>>
        %dma_wait3A_49 = tpu.memref_slice %arg3[%add3A_18] : memref<196608xi32, #tpu.memory_space<hbm>> -> memref<32xi32, #tpu.memory_space<hbm>>
        tpu.wait_dma2 semaphore(%run_scoped3A : memref<!tpu.dma_semaphore, #tpu.memory_space<semaphore_mem>>) src(%dma_wait3A_49 : memref<32xi32, #tpu.memory_space<hbm>>) dst(%arg8 : memref<32xi32, #tpu.memory_space<vmem>>)
        tpu.yield
      }) : () -> ()
      %add3A_19 = arith.constant 0 : i32
      %add3A_20 = arith.addi %add3A_19, %add3A_12 : i32
      "tpu.region"() ({
        %run_scoped3A = tpu.sem_alloc : memref<!tpu.dma_semaphore, #tpu.memory_space<semaphore_mem>>
        %dma_start3A_46 = arith.constant 0 : i32
        %dma_start3A_47 = tpu.memref_slice %arg13[%dma_start3A_46] : memref<112xf32, #tpu.memory_space<vmem>> -> memref<32xf32, #tpu.memory_space<vmem>>
        %dma_start3A_48 = tpu.memref_slice %arg4[%add3A_20] : memref<196608xf32, #tpu.memory_space<hbm>> -> memref<32xf32, #tpu.memory_space<hbm>>
        %dma_start3A_49 = arith.constant 0 : i32
        %dma_start3A_50 = tpu.memref_slice %arg13[%dma_start3A_49] : memref<112xf32, #tpu.memory_space<vmem>> -> memref<32xf32, #tpu.memory_space<vmem>>
        %dma_start3A_51 = tpu.memref_slice %arg4[%add3A_20] : memref<196608xf32, #tpu.memory_space<hbm>> -> memref<32xf32, #tpu.memory_space<hbm>>
        tpu.enqueue_dma source(%dma_start3A_51 : memref<32xf32, #tpu.memory_space<hbm>>) target(%dma_start3A_50 : memref<32xf32, #tpu.memory_space<vmem>>) target_semaphore(%run_scoped3A : memref<!tpu.dma_semaphore, #tpu.memory_space<semaphore_mem>>)
        %dma_wait3A_52 = arith.constant 0 : i32
        %dma_wait3A_53 = tpu.memref_slice %arg13[%dma_wait3A_52] : memref<112xf32, #tpu.memory_space<vmem>> -> memref<32xf32, #tpu.memory_space<vmem>>
        %dma_wait3A_54 = tpu.memref_slice %arg4[%add3A_20] : memref<196608xf32, #tpu.memory_space<hbm>> -> memref<32xf32, #tpu.memory_space<hbm>>
        %dma_wait3A_55 = arith.constant 0 : i32
        %dma_wait3A_56 = tpu.memref_slice %arg13[%dma_wait3A_55] : memref<112xf32, #tpu.memory_space<vmem>> -> memref<32xf32, #tpu.memory_space<vmem>>
        %dma_wait3A_57 = tpu.memref_slice %arg4[%add3A_20] : memref<196608xf32, #tpu.memory_space<hbm>> -> memref<32xf32, #tpu.memory_space<hbm>>
        tpu.wait_dma2 semaphore(%run_scoped3A : memref<!tpu.dma_semaphore, #tpu.memory_space<semaphore_mem>>) src(%dma_wait3A_57 : memref<32xf32, #tpu.memory_space<hbm>>) dst(%dma_wait3A_56 : memref<32xf32, #tpu.memory_space<vmem>>)
        tpu.yield
      }) : () -> ()
      %add3A_21 = arith.constant 65536 : i32
      %add3A_22 = arith.addi %add3A_21, %add3A_12 : i32
      "tpu.region"() ({
        %run_scoped3A = tpu.sem_alloc : memref<!tpu.dma_semaphore, #tpu.memory_space<semaphore_mem>>
        %dma_start3A_46 = arith.constant 32 : i32
        %dma_start3A_47 = tpu.memref_slice %arg13[%dma_start3A_46] : memref<112xf32, #tpu.memory_space<vmem>> -> memref<32xf32, #tpu.memory_space<vmem>>
        %dma_start3A_48 = tpu.memref_slice %arg4[%add3A_22] : memref<196608xf32, #tpu.memory_space<hbm>> -> memref<32xf32, #tpu.memory_space<hbm>>
        %dma_start3A_49 = arith.constant 32 : i32
        %dma_start3A_50 = tpu.memref_slice %arg13[%dma_start3A_49] : memref<112xf32, #tpu.memory_space<vmem>> -> memref<32xf32, #tpu.memory_space<vmem>>
        %dma_start3A_51 = tpu.memref_slice %arg4[%add3A_22] : memref<196608xf32, #tpu.memory_space<hbm>> -> memref<32xf32, #tpu.memory_space<hbm>>
        tpu.enqueue_dma source(%dma_start3A_51 : memref<32xf32, #tpu.memory_space<hbm>>) target(%dma_start3A_50 : memref<32xf32, #tpu.memory_space<vmem>>) target_semaphore(%run_scoped3A : memref<!tpu.dma_semaphore, #tpu.memory_space<semaphore_mem>>)
        %dma_wait3A_52 = arith.constant 32 : i32
        %dma_wait3A_53 = tpu.memref_slice %arg13[%dma_wait3A_52] : memref<112xf32, #tpu.memory_space<vmem>> -> memref<32xf32, #tpu.memory_space<vmem>>
        %dma_wait3A_54 = tpu.memref_slice %arg4[%add3A_22] : memref<196608xf32, #tpu.memory_space<hbm>> -> memref<32xf32, #tpu.memory_space<hbm>>
        %dma_wait3A_55 = arith.constant 32 : i32
        %dma_wait3A_56 = tpu.memref_slice %arg13[%dma_wait3A_55] : memref<112xf32, #tpu.memory_space<vmem>> -> memref<32xf32, #tpu.memory_space<vmem>>
        %dma_wait3A_57 = tpu.memref_slice %arg4[%add3A_22] : memref<196608xf32, #tpu.memory_space<hbm>> -> memref<32xf32, #tpu.memory_space<hbm>>
        tpu.wait_dma2 semaphore(%run_scoped3A : memref<!tpu.dma_semaphore, #tpu.memory_space<semaphore_mem>>) src(%dma_wait3A_57 : memref<32xf32, #tpu.memory_space<hbm>>) dst(%dma_wait3A_56 : memref<32xf32, #tpu.memory_space<vmem>>)
        tpu.yield
      }) : () -> ()
      %add3A_23 = arith.constant 131072 : i32
      %add3A_24 = arith.addi %add3A_23, %add3A_12 : i32
      "tpu.region"() ({
        %run_scoped3A = tpu.sem_alloc : memref<!tpu.dma_semaphore, #tpu.memory_space<semaphore_mem>>
        %dma_start3A_46 = arith.constant 64 : i32
        %dma_start3A_47 = tpu.memref_slice %arg13[%dma_start3A_46] : memref<112xf32, #tpu.memory_space<vmem>> -> memref<32xf32, #tpu.memory_space<vmem>>
        %dma_start3A_48 = tpu.memref_slice %arg4[%add3A_24] : memref<196608xf32, #tpu.memory_space<hbm>> -> memref<32xf32, #tpu.memory_space<hbm>>
        %dma_start3A_49 = arith.constant 64 : i32
        %dma_start3A_50 = tpu.memref_slice %arg13[%dma_start3A_49] : memref<112xf32, #tpu.memory_space<vmem>> -> memref<32xf32, #tpu.memory_space<vmem>>
        %dma_start3A_51 = tpu.memref_slice %arg4[%add3A_24] : memref<196608xf32, #tpu.memory_space<hbm>> -> memref<32xf32, #tpu.memory_space<hbm>>
        tpu.enqueue_dma source(%dma_start3A_51 : memref<32xf32, #tpu.memory_space<hbm>>) target(%dma_start3A_50 : memref<32xf32, #tpu.memory_space<vmem>>) target_semaphore(%run_scoped3A : memref<!tpu.dma_semaphore, #tpu.memory_space<semaphore_mem>>)
        %dma_wait3A_52 = arith.constant 64 : i32
        %dma_wait3A_53 = tpu.memref_slice %arg13[%dma_wait3A_52] : memref<112xf32, #tpu.memory_space<vmem>> -> memref<32xf32, #tpu.memory_space<vmem>>
        %dma_wait3A_54 = tpu.memref_slice %arg4[%add3A_24] : memref<196608xf32, #tpu.memory_space<hbm>> -> memref<32xf32, #tpu.memory_space<hbm>>
        %dma_wait3A_55 = arith.constant 64 : i32
        %dma_wait3A_56 = tpu.memref_slice %arg13[%dma_wait3A_55] : memref<112xf32, #tpu.memory_space<vmem>> -> memref<32xf32, #tpu.memory_space<vmem>>
        %dma_wait3A_57 = tpu.memref_slice %arg4[%add3A_24] : memref<196608xf32, #tpu.memory_space<hbm>> -> memref<32xf32, #tpu.memory_space<hbm>>
        tpu.wait_dma2 semaphore(%run_scoped3A : memref<!tpu.dma_semaphore, #tpu.memory_space<semaphore_mem>>) src(%dma_wait3A_57 : memref<32xf32, #tpu.memory_space<hbm>>) dst(%dma_wait3A_56 : memref<32xf32, #tpu.memory_space<vmem>>)
        tpu.yield
      }) : () -> ()
      %dma_start3A = arith.constant 0 : i32
      %dma_start3A_25 = arith.constant 0 : i32
      %dma_start3A_26 = tpu.memref_slice %arg2[%dma_start3A, %dma_start3A_25] : memref<16384x256xf32, #tpu.memory_space<hbm>> -> memref<16384x256xf32, #tpu.memory_space<hbm>>
      tpu.enqueue_indirect_dma source(%dma_start3A_26 : memref<16384x256xf32, #tpu.memory_space<hbm>>) target(%arg9 : memref<32x256xf32, #tpu.memory_space<vmem>>) offsets(%arg6 : memref<32xi32, #tpu.memory_space<vmem>>) semaphore(%arg14 : memref<!tpu.dma_semaphore, #tpu.memory_space<semaphore_mem>>)
      %dma_wait3A = arith.constant 0 : i32
      %dma_wait3A_27 = arith.constant 0 : i32
      %dma_wait3A_28 = tpu.memref_slice %arg2[%dma_wait3A, %dma_wait3A_27] : memref<16384x256xf32, #tpu.memory_space<hbm>> -> memref<16384x256xf32, #tpu.memory_space<hbm>>
      tpu.wait_indirect_dma semaphore(%arg14 : memref<!tpu.dma_semaphore, #tpu.memory_space<semaphore_mem>>) src(%dma_wait3A_28 : memref<16384x256xf32, #tpu.memory_space<hbm>>) dst(%arg9 : memref<32x256xf32, #tpu.memory_space<vmem>>)
      %dma_start3A_29 = arith.constant 0 : i32
      %dma_start3A_30 = arith.constant 0 : i32
      %dma_start3A_31 = tpu.memref_slice %arg2[%dma_start3A_29, %dma_start3A_30] : memref<16384x256xf32, #tpu.memory_space<hbm>> -> memref<16384x256xf32, #tpu.memory_space<hbm>>
      tpu.enqueue_indirect_dma source(%dma_start3A_31 : memref<16384x256xf32, #tpu.memory_space<hbm>>) target(%arg10 : memref<32x256xf32, #tpu.memory_space<vmem>>) offsets(%arg7 : memref<32xi32, #tpu.memory_space<vmem>>) semaphore(%arg14 : memref<!tpu.dma_semaphore, #tpu.memory_space<semaphore_mem>>)
      %dma_wait3A_32 = arith.constant 0 : i32
      %dma_wait3A_33 = arith.constant 0 : i32
      %dma_wait3A_34 = tpu.memref_slice %arg2[%dma_wait3A_32, %dma_wait3A_33] : memref<16384x256xf32, #tpu.memory_space<hbm>> -> memref<16384x256xf32, #tpu.memory_space<hbm>>
      tpu.wait_indirect_dma semaphore(%arg14 : memref<!tpu.dma_semaphore, #tpu.memory_space<semaphore_mem>>) src(%dma_wait3A_34 : memref<16384x256xf32, #tpu.memory_space<hbm>>) dst(%arg10 : memref<32x256xf32, #tpu.memory_space<vmem>>)
      %dma_start3A_35 = arith.constant 0 : i32
      %dma_start3A_36 = arith.constant 0 : i32
      %dma_start3A_37 = tpu.memref_slice %arg2[%dma_start3A_35, %dma_start3A_36] : memref<16384x256xf32, #tpu.memory_space<hbm>> -> memref<16384x256xf32, #tpu.memory_space<hbm>>
      tpu.enqueue_indirect_dma source(%dma_start3A_37 : memref<16384x256xf32, #tpu.memory_space<hbm>>) target(%arg11 : memref<32x256xf32, #tpu.memory_space<vmem>>) offsets(%arg8 : memref<32xi32, #tpu.memory_space<vmem>>) semaphore(%arg14 : memref<!tpu.dma_semaphore, #tpu.memory_space<semaphore_mem>>)
      %dma_wait3A_38 = arith.constant 0 : i32
      %dma_wait3A_39 = arith.constant 0 : i32
      %dma_wait3A_40 = tpu.memref_slice %arg2[%dma_wait3A_38, %dma_wait3A_39] : memref<16384x256xf32, #tpu.memory_space<hbm>> -> memref<16384x256xf32, #tpu.memory_space<hbm>>
      tpu.wait_indirect_dma semaphore(%arg14 : memref<!tpu.dma_semaphore, #tpu.memory_space<semaphore_mem>>) src(%dma_wait3A_40 : memref<16384x256xf32, #tpu.memory_space<hbm>>) dst(%arg11 : memref<32x256xf32, #tpu.memory_space<vmem>>)
      %scan3A_41 = arith.constant 0 : i32
      %scan3A_42 = arith.constant 32 : i32
      %scan3A_43 = arith.addi %scan3A_41, %scan3A_42 : i32
      %scan3A_44 = arith.constant 1 : i32
      scf.for %scan3A_46 = %scan3A_41 to %scan3A_43 step %scan3A_44  : i32 {
        %mul3A_47 = arith.constant 1 : i32
        %mul3A_48 = arith.muli %scan3A_46, %mul3A_47 : i32
        %add3A_49 = arith.constant 0 : i32
        %add3A_50 = arith.addi %add3A_49, %mul3A_48 : i32
        %get3A = arith.index_cast %add3A_50 : i32 to index
        %get3A_51 = tpu.vector_load %arg13[%get3A] {strides = array<i32>} : memref<112xf32, #tpu.memory_space<vmem>>, vector<16xf32>,
        %get3A_52 = vector.shape_cast %get3A_51 : vector<16xf32> to vector<16xf32>
        %slice3A = vector.extract_strided_slice %get3A_52 {offsets = [0], sizes = [1], strides = [1]} : vector<16xf32> to vector<1xf32>
        %squeeze3A = vector.extract %slice3A[0] : f32 from vector<1xf32>
        %add3A_53 = arith.constant 32 : i32
        %add3A_54 = arith.addi %add3A_53, %add3A_50 : i32
        %get3A_55 = arith.index_cast %add3A_54 : i32 to index
        %get3A_56 = tpu.vector_load %arg13[%get3A_55] {strides = array<i32>} : memref<112xf32, #tpu.memory_space<vmem>>, vector<16xf32>,
        %get3A_57 = vector.shape_cast %get3A_56 : vector<16xf32> to vector<16xf32>
        %slice3A_58 = vector.extract_strided_slice %get3A_57 {offsets = [0], sizes = [1], strides = [1]} : vector<16xf32> to vector<1xf32>
        %squeeze3A_59 = vector.extract %slice3A_58[0] : f32 from vector<1xf32>
        %add3A_60 = arith.constant 64 : i32
        %add3A_61 = arith.addi %add3A_60, %add3A_50 : i32
        %get3A_62 = arith.index_cast %add3A_61 : i32 to index
        %get3A_63 = tpu.vector_load %arg13[%get3A_62] {strides = array<i32>} : memref<112xf32, #tpu.memory_space<vmem>>, vector<16xf32>,
        %get3A_64 = vector.shape_cast %get3A_63 : vector<16xf32> to vector<16xf32>
        %slice3A_65 = vector.extract_strided_slice %get3A_64 {offsets = [0], sizes = [1], strides = [1]} : vector<16xf32> to vector<1xf32>
        %squeeze3A_66 = vector.extract %slice3A_65[0] : f32 from vector<1xf32>
        %scan3A_67 = arith.constant 0 : i32
        %scan3A_68 = arith.constant 16 : i32
        %scan3A_69 = arith.addi %scan3A_67, %scan3A_68 : i32
        %scan3A_70 = arith.constant 1 : i32
        scf.for %scan3A_72 = %scan3A_67 to %scan3A_69 step %scan3A_70  : i32 {
          %mul3A_73 = arith.constant 16 : i32
          %mul3A_74 = arith.muli %scan3A_72, %mul3A_73 : i32
          %add3A_75 = arith.constant 0 : i32
          %add3A_76 = arith.addi %add3A_75, %mul3A_74 : i32
          %get3A_77 = arith.index_cast %add3A_50 : i32 to index
          %get3A_78 = arith.index_cast %add3A_76 : i32 to index
          %get3A_79 = tpu.vector_load %arg9[%get3A_77, %get3A_78] {strides = array<i32>} : memref<32x256xf32, #tpu.memory_space<vmem>>, vector<1x16xf32>,
          %get3A_80 = vector.shape_cast %get3A_79 : vector<1x16xf32> to vector<16xf32>
          %mul3A_81 = vector.broadcast %squeeze3A : f32 to vector<16xf32>
          %mul3A_82 = arith.mulf %mul3A_81, %get3A_80 : vector<16xf32>
          %get3A_83 = arith.index_cast %add3A_50 : i32 to index
          %get3A_84 = arith.index_cast %add3A_76 : i32 to index
          %get3A_85 = tpu.vector_load %arg10[%get3A_83, %get3A_84] {strides = array<i32>} : memref<32x256xf32, #tpu.memory_space<vmem>>, vector<1x16xf32>,
          %get3A_86 = vector.shape_cast %get3A_85 : vector<1x16xf32> to vector<16xf32>
          %mul3A_87 = vector.broadcast %squeeze3A_59 : f32 to vector<16xf32>
          %mul3A_88 = arith.mulf %mul3A_87, %get3A_86 : vector<16xf32>
          %add3A_89 = arith.addf %mul3A_82, %mul3A_88 : vector<16xf32>
          %get3A_90 = arith.index_cast %add3A_50 : i32 to index
          %get3A_91 = arith.index_cast %add3A_76 : i32 to index
          %get3A_92 = tpu.vector_load %arg11[%get3A_90, %get3A_91] {strides = array<i32>} : memref<32x256xf32, #tpu.memory_space<vmem>>, vector<1x16xf32>,
          %get3A_93 = vector.shape_cast %get3A_92 : vector<1x16xf32> to vector<16xf32>
          %mul3A_94 = vector.broadcast %squeeze3A_66 : f32 to vector<16xf32>
          %mul3A_95 = arith.mulf %mul3A_94, %get3A_93 : vector<16xf32>
          %add3A_96 = arith.addf %add3A_89, %mul3A_95 : vector<16xf32>
          %swap3A = arith.index_cast %add3A_50 : i32 to index
          %swap3A_97 = arith.index_cast %add3A_76 : i32 to index
          %swap3A_98 = tpu.vector_load %arg12[%swap3A, %swap3A_97] {strides = array<i32>} : memref<32x256xf32, #tpu.memory_space<vmem>>, vector<1x16xf32>,
          %swap3A_99 = vector.shape_cast %swap3A_98 : vector<1x16xf32> to vector<16xf32>
          %swap3A_100 = vector.shape_cast %add3A_96 : vector<16xf32> to vector<1x16xf32>
          tpu.vector_store %arg12[%swap3A, %swap3A_97], %swap3A_100 {strides = array<i32>} : memref<32x256xf32, #tpu.memory_space<vmem>>, vector<1x16xf32>,
        }
        %scan3A_71 = arith.constant 16 : i32
      }
      %scan3A_45 = arith.constant 32 : i32
      "tpu.region"() ({
        %run_scoped3A = tpu.sem_alloc : memref<!tpu.dma_semaphore, #tpu.memory_space<semaphore_mem>>
        %dma_start3A_46 = arith.constant 0 : i32
        %dma_start3A_47 = tpu.memref_slice %arg5[%add3A_12, %dma_start3A_46] : memref<65536x256xf32, #tpu.memory_space<hbm>> -> memref<32x256xf32, #tpu.memory_space<hbm>>
        %dma_start3A_48 = arith.constant 0 : i32
        %dma_start3A_49 = tpu.memref_slice %arg5[%add3A_12, %dma_start3A_48] : memref<65536x256xf32, #tpu.memory_space<hbm>> -> memref<32x256xf32, #tpu.memory_space<hbm>>
        tpu.enqueue_dma source(%arg12 : memref<32x256xf32, #tpu.memory_space<vmem>>) target(%dma_start3A_49 : memref<32x256xf32, #tpu.memory_space<hbm>>) target_semaphore(%run_scoped3A : memref<!tpu.dma_semaphore, #tpu.memory_space<semaphore_mem>>)
        %dma_wait3A_50 = arith.constant 0 : i32
        %dma_wait3A_51 = tpu.memref_slice %arg5[%add3A_12, %dma_wait3A_50] : memref<65536x256xf32, #tpu.memory_space<hbm>> -> memref<32x256xf32, #tpu.memory_space<hbm>>
        %dma_wait3A_52 = arith.constant 0 : i32
        %dma_wait3A_53 = tpu.memref_slice %arg5[%add3A_12, %dma_wait3A_52] : memref<65536x256xf32, #tpu.memory_space<hbm>> -> memref<32x256xf32, #tpu.memory_space<hbm>>
        tpu.wait_dma2 semaphore(%run_scoped3A : memref<!tpu.dma_semaphore, #tpu.memory_space<semaphore_mem>>) src(%arg12 : memref<32x256xf32, #tpu.memory_space<vmem>>) dst(%dma_wait3A_53 : memref<32x256xf32, #tpu.memory_space<hbm>>)
        tpu.yield
      }) : () -> ()
    }
    %scan3A_6 = arith.constant 64 : i32
    return
  }
}

module attributes {stable_mosaic.version = 14 : i64} {
  func.func @_k1_body(%arg0: i32, %arg1: i32, %arg2: memref<1x3x1024xf32, #tpu.memory_space<vmem>>, %arg3: memref<1x3x2048xf32, #tpu.memory_space<vmem>>, %arg4: memref<1x1024x3xi32, #tpu.memory_space<vmem>>, %arg5: memref<1x1024x3xf32, #tpu.memory_space<vmem>>) attributes {dimension_semantics = [#tpu.dimension_semantics<arbitrary>, #tpu.dimension_semantics<arbitrary>], iteration_bounds = array<i64: 8, 8>, scalar_prefetch = 0 : i64, scratch_operands = 0 : i64, tpu.core_type = #tpu.core_type<tc>, window_params = [{transform_indices = @transform_0, window_bounds = array<i64: 1, 3, 1024>}, {transform_indices = @transform_1, window_bounds = array<i64: 1, 3, 2048>}, {transform_indices = @transform_2, window_bounds = array<i64: 1, 1024, 3>}, {transform_indices = @transform_3, window_bounds = array<i64: 1, 1024, 3>}]} {
    %get3A = arith.constant 0 : index
    %get3A_0 = arith.constant 0 : index
    %get3A_1 = arith.constant 0 : index
    %get3A_2 = vector.load %arg2[%get3A, %get3A_0, %get3A_1] : memref<1x3x1024xf32, #tpu.memory_space<vmem>>, vector<1x3x1024xf32>
    %get3A_3 = vector.shape_cast %get3A_2 : vector<1x3x1024xf32> to vector<3x1024xf32>
    %get3A_4 = arith.constant 0 : index
    %get3A_5 = arith.constant 0 : index
    %get3A_6 = arith.constant 0 : index
    %get3A_7 = vector.load %arg3[%get3A_4, %get3A_5, %get3A_6] : memref<1x3x2048xf32, #tpu.memory_space<vmem>>, vector<1x3x2048xf32>
    %get3A_8 = vector.shape_cast %get3A_7 : vector<1x3x2048xf32> to vector<3x2048xf32>
    %mul3A = arith.mulf %get3A_3, %get3A_3 : vector<3x1024xf32>
    %reduce_sum3A = arith.constant dense<0.000000e+00> : vector<1024xf32>
    %reduce_sum3A_9 = vector.multi_reduction <add>, %mul3A, %reduce_sum3A [0] : vector<3x1024xf32> to vector<1024xf32>
    %broadcast_in_dim3A = vector.shape_cast %reduce_sum3A_9 : vector<1024xf32> to vector<1x1024xf32>
    %transpose3A = tpu.transpose %broadcast_in_dim3A, [1, 0] : vector<1x1024xf32> -> vector<1024x1xf32>
    %mul3A_10 = arith.mulf %get3A_8, %get3A_8 : vector<3x2048xf32>
    %reduce_sum3A_11 = arith.constant dense<0.000000e+00> : vector<2048xf32>
    %reduce_sum3A_12 = vector.multi_reduction <add>, %mul3A_10, %reduce_sum3A_11 [0] : vector<3x2048xf32> to vector<2048xf32>
    %broadcast_in_dim3A_13 = vector.shape_cast %reduce_sum3A_12 : vector<2048xf32> to vector<1x2048xf32>
    %mul3A_14 = arith.constant 2.500000e-01 : f32
    %mul3A_15 = vector.broadcast %mul3A_14 : f32 to vector<1x2048xf32>
    %mul3A_16 = arith.mulf %mul3A_15, %broadcast_in_dim3A_13 : vector<1x2048xf32>
    %dot_general3A = arith.constant dense<0.000000e+00> : vector<1024x2048xf32>
    %dot_general3A_17 = tpu.matmul %get3A_3, %get3A_8, %dot_general3A {dimension_numbers = #tpu.dot_dimension_numbers<[0], [0], [1], [1], [0, 1, 1, 1], [], []>, transpose_lhs_hint = false} : vector<3x1024xf32>, vector<3x2048xf32>, vector<1024x2048xf32> -> vector<1024x2048xf32>
    %add3A = vector.broadcast %transpose3A : vector<1024x1xf32> to vector<1024x2048xf32>
    %add3A_18 = vector.broadcast %mul3A_16 : vector<1x2048xf32> to vector<1024x2048xf32>
    %add3A_19 = arith.addf %add3A, %add3A_18 : vector<1024x2048xf32>
    %add3A_20 = arith.addf %add3A_19, %dot_general3A_17 : vector<1024x2048xf32>
    %reduce_min3A = arith.constant dense<0x7F800000> : vector<1024xf32>
    %reduce_min3A_21 = vector.multi_reduction <minimumf>, %add3A_20, %reduce_min3A [1] : vector<1024x2048xf32> to vector<1024xf32>
    %broadcast_in_dim3A_22 = vector.shape_cast %reduce_min3A_21 : vector<1024xf32> to vector<1024x1xf32>
    %eq3A = vector.broadcast %broadcast_in_dim3A_22 : vector<1024x1xf32> to vector<1024x2048xf32>
    %eq3A_23 = arith.cmpf oeq, %add3A_20, %eq3A : vector<1024x2048xf32>
    %jit3A = arith.constant 0x7F800000 : f32
    %broadcast_in_dim3A_24 = vector.broadcast %jit3A : f32 to vector<1024x2048xf32>
    %select_n3A = arith.select %eq3A_23, %broadcast_in_dim3A_24, %add3A_20 : vector<1024x2048xi1>, vector<1024x2048xf32>
    %reduce_min3A_25 = arith.constant dense<0x7F800000> : vector<1024xf32>
    %reduce_min3A_26 = vector.multi_reduction <minimumf>, %select_n3A, %reduce_min3A_25 [1] : vector<1024x2048xf32> to vector<1024xf32>
    %broadcast_in_dim3A_27 = vector.shape_cast %reduce_min3A_26 : vector<1024xf32> to vector<1024x1xf32>
    %eq3A_28 = vector.broadcast %broadcast_in_dim3A_27 : vector<1024x1xf32> to vector<1024x2048xf32>
    %eq3A_29 = arith.cmpf oeq, %select_n3A, %eq3A_28 : vector<1024x2048xf32>
    %jit3A_30 = arith.constant 0x7F800000 : f32
    %broadcast_in_dim3A_31 = vector.broadcast %jit3A_30 : f32 to vector<1024x2048xf32>
    %select_n3A_32 = arith.select %eq3A_29, %broadcast_in_dim3A_31, %select_n3A : vector<1024x2048xi1>, vector<1024x2048xf32>
    %reduce_min3A_33 = arith.constant dense<0x7F800000> : vector<1024xf32>
    %reduce_min3A_34 = vector.multi_reduction <minimumf>, %select_n3A_32, %reduce_min3A_33 [1] : vector<1024x2048xf32> to vector<1024xf32>
    %broadcast_in_dim3A_35 = vector.shape_cast %reduce_min3A_34 : vector<1024xf32> to vector<1024x1xf32>
    %max3A = arith.constant 0.000000e+00 : f32
    %max3A_36 = vector.broadcast %max3A : f32 to vector<1024x1xf32>
    %max3A_37 = arith.maximumf %broadcast_in_dim3A_22, %max3A_36 : vector<1024x1xf32>
    %add3A_38 = arith.constant 9.99999993E-9 : f32
    %add3A_39 = vector.broadcast %add3A_38 : f32 to vector<1024x1xf32>
    %add3A_40 = arith.addf %max3A_37, %add3A_39 : vector<1024x1xf32>
    %div3A = arith.constant 1.000000e+00 : f32
    %div3A_41 = vector.broadcast %div3A : f32 to vector<1024x1xf32>
    %div3A_42 = arith.divf %div3A_41, %add3A_40 : vector<1024x1xf32>
    %max3A_43 = arith.constant 0.000000e+00 : f32
    %max3A_44 = vector.broadcast %max3A_43 : f32 to vector<1024x1xf32>
    %max3A_45 = arith.maximumf %broadcast_in_dim3A_27, %max3A_44 : vector<1024x1xf32>
    %add3A_46 = arith.constant 9.99999993E-9 : f32
    %add3A_47 = vector.broadcast %add3A_46 : f32 to vector<1024x1xf32>
    %add3A_48 = arith.addf %max3A_45, %add3A_47 : vector<1024x1xf32>
    %div3A_49 = arith.constant 1.000000e+00 : f32
    %div3A_50 = vector.broadcast %div3A_49 : f32 to vector<1024x1xf32>
    %div3A_51 = arith.divf %div3A_50, %add3A_48 : vector<1024x1xf32>
    %max3A_52 = arith.constant 0.000000e+00 : f32
    %max3A_53 = vector.broadcast %max3A_52 : f32 to vector<1024x1xf32>
    %max3A_54 = arith.maximumf %broadcast_in_dim3A_35, %max3A_53 : vector<1024x1xf32>
    %add3A_55 = arith.constant 9.99999993E-9 : f32
    %add3A_56 = vector.broadcast %add3A_55 : f32 to vector<1024x1xf32>
    %add3A_57 = arith.addf %max3A_54, %add3A_56 : vector<1024x1xf32>
    %div3A_58 = arith.constant 1.000000e+00 : f32
    %div3A_59 = vector.broadcast %div3A_58 : f32 to vector<1024x1xf32>
    %div3A_60 = arith.divf %div3A_59, %add3A_57 : vector<1024x1xf32>
    %add3A_61 = arith.addf %div3A_42, %div3A_51 : vector<1024x1xf32>
    %add3A_62 = arith.addf %add3A_61, %div3A_60 : vector<1024x1xf32>
    %div3A_63 = arith.divf %div3A_42, %add3A_62 : vector<1024x1xf32>
    %div3A_64 = arith.divf %div3A_51, %add3A_62 : vector<1024x1xf32>
    %div3A_65 = arith.divf %div3A_60, %add3A_62 : vector<1024x1xf32>
    %iota3A = tpu.iota {dimensions = array<i32: 1>} : vector<1024x2048xi32>
    %mul3A_66 = arith.constant 2048 : i32
    %mul3A_67 = arith.muli %arg0, %mul3A_66 : i32
    %eq3A_68 = vector.broadcast %broadcast_in_dim3A_22 : vector<1024x1xf32> to vector<1024x2048xf32>
    %eq3A_69 = arith.cmpf oeq, %add3A_20, %eq3A_68 : vector<1024x2048xf32>
    %jit3A_70 = arith.constant 2048 : i32
    %broadcast_in_dim3A_71 = vector.broadcast %jit3A_70 : i32 to vector<1024x2048xi32>
    %select_n3A_72 = arith.select %eq3A_69, %iota3A, %broadcast_in_dim3A_71 : vector<1024x2048xi1>, vector<1024x2048xi32>
    %reduce_min3A_73 = arith.constant dense<2147483647> : vector<1024xi32>
    %reduce_min3A_74 = vector.multi_reduction <minsi>, %select_n3A_72, %reduce_min3A_73 [1] : vector<1024x2048xi32> to vector<1024xi32>
    %broadcast_in_dim3A_75 = vector.shape_cast %reduce_min3A_74 : vector<1024xi32> to vector<1024x1xi32>
    %eq3A_76 = vector.broadcast %broadcast_in_dim3A_27 : vector<1024x1xf32> to vector<1024x2048xf32>
    %eq3A_77 = arith.cmpf oeq, %select_n3A, %eq3A_76 : vector<1024x2048xf32>
    %jit3A_78 = arith.constant 2048 : i32
    %broadcast_in_dim3A_79 = vector.broadcast %jit3A_78 : i32 to vector<1024x2048xi32>
    %select_n3A_80 = arith.select %eq3A_77, %iota3A, %broadcast_in_dim3A_79 : vector<1024x2048xi1>, vector<1024x2048xi32>
    %reduce_min3A_81 = arith.constant dense<2147483647> : vector<1024xi32>
    %reduce_min3A_82 = vector.multi_reduction <minsi>, %select_n3A_80, %reduce_min3A_81 [1] : vector<1024x2048xi32> to vector<1024xi32>
    %broadcast_in_dim3A_83 = vector.shape_cast %reduce_min3A_82 : vector<1024xi32> to vector<1024x1xi32>
    %eq3A_84 = vector.broadcast %broadcast_in_dim3A_35 : vector<1024x1xf32> to vector<1024x2048xf32>
    %eq3A_85 = arith.cmpf oeq, %select_n3A_32, %eq3A_84 : vector<1024x2048xf32>
    %jit3A_86 = arith.constant 2048 : i32
    %broadcast_in_dim3A_87 = vector.broadcast %jit3A_86 : i32 to vector<1024x2048xi32>
    %select_n3A_88 = arith.select %eq3A_85, %iota3A, %broadcast_in_dim3A_87 : vector<1024x2048xi1>, vector<1024x2048xi32>
    %reduce_min3A_89 = arith.constant dense<2147483647> : vector<1024xi32>
    %reduce_min3A_90 = vector.multi_reduction <minsi>, %select_n3A_88, %reduce_min3A_89 [1] : vector<1024x2048xi32> to vector<1024xi32>
    %broadcast_in_dim3A_91 = vector.shape_cast %reduce_min3A_90 : vector<1024xi32> to vector<1024x1xi32>
    %concatenate3A = tpu.concatenate %broadcast_in_dim3A_75, %broadcast_in_dim3A_83, %broadcast_in_dim3A_91 in 1 : vector<1024x1xi32>, vector<1024x1xi32>, vector<1024x1xi32> -> vector<1024x3xi32>
    %add3A_92 = vector.broadcast %mul3A_67 : i32 to vector<1024x3xi32>
    %add3A_93 = arith.addi %concatenate3A, %add3A_92 : vector<1024x3xi32>
    %swap3A = arith.constant 0 : index
    %swap3A_94 = arith.constant 0 : index
    %swap3A_95 = arith.constant 0 : index
    %swap3A_96 = vector.load %arg4[%swap3A, %swap3A_94, %swap3A_95] : memref<1x1024x3xi32, #tpu.memory_space<vmem>>, vector<1x1024x3xi32>
    %swap3A_97 = vector.shape_cast %swap3A_96 : vector<1x1024x3xi32> to vector<1024x3xi32>
    %swap3A_98 = vector.shape_cast %add3A_93 : vector<1024x3xi32> to vector<1x1024x3xi32>
    tpu.vector_store %arg4[%swap3A, %swap3A_94, %swap3A_95], %swap3A_98 {strides = array<i32>} : memref<1x1024x3xi32, #tpu.memory_space<vmem>>, vector<1x1024x3xi32>,
    %concatenate3A_99 = tpu.concatenate %div3A_63, %div3A_64, %div3A_65 in 1 : vector<1024x1xf32>, vector<1024x1xf32>, vector<1024x1xf32> -> vector<1024x3xf32>
    %swap3A_100 = arith.constant 0 : index
    %swap3A_101 = arith.constant 0 : index
    %swap3A_102 = arith.constant 0 : index
    %swap3A_103 = vector.load %arg5[%swap3A_100, %swap3A_101, %swap3A_102] : memref<1x1024x3xf32, #tpu.memory_space<vmem>>, vector<1x1024x3xf32>
    %swap3A_104 = vector.shape_cast %swap3A_103 : vector<1x1024x3xf32> to vector<1024x3xf32>
    %swap3A_105 = vector.shape_cast %concatenate3A_99 : vector<1024x3xf32> to vector<1x1024x3xf32>
    tpu.vector_store %arg5[%swap3A_100, %swap3A_101, %swap3A_102], %swap3A_105 {strides = array<i32>} : memref<1x1024x3xf32, #tpu.memory_space<vmem>>, vector<1x1024x3xf32>,
    return
  }
  func.func @transform_0(%arg0: i32, %arg1: i32) -> (i32, i32, i32) {
    %c0_i32 = arith.constant 0 : i32
    %c0_i32_0 = arith.constant 0 : i32
    return %arg0, %c0_i32, %arg1 : i32, i32, i32
  }
  func.func @transform_1(%arg0: i32, %arg1: i32) -> (i32, i32, i32) {
    %c0_i32 = arith.constant 0 : i32
    %c0_i32_0 = arith.constant 0 : i32
    %c0_i32_1 = arith.constant 0 : i32
    return %arg0, %c0_i32, %c0_i32_0 : i32, i32, i32
  }
  func.func @transform_2(%arg0: i32, %arg1: i32) -> (i32, i32, i32) {
    %c0_i32 = arith.constant 0 : i32
    %c0_i32_0 = arith.constant 0 : i32
    return %arg0, %arg1, %c0_i32 : i32, i32, i32
  }
  func.func @transform_3(%arg0: i32, %arg1: i32) -> (i32, i32, i32) {
    %c0_i32 = arith.constant 0 : i32
    %c0_i32_0 = arith.constant 0 : i32
    return %arg0, %arg1, %c0_i32 : i32, i32, i32
  }
}

module attributes {stable_mosaic.version = 14 : i64} {
  func.func @_k3_body(%arg0: i32, %arg1: i32, %arg2: memref<1x1024x256xf32, #tpu.memory_space<vmem>>, %arg3: memref<8x8x2x256xf32, #tpu.memory_space<vmem>>, %arg4: memref<1x256xf32, #tpu.memory_space<vmem>>, %arg5: memref<1x256xf32, #tpu.memory_space<vmem>>, %arg6: memref<256x256xf32, #tpu.memory_space<vmem>>, %arg7: memref<1x256xf32, #tpu.memory_space<vmem>>, %arg8: memref<1x1024x256xf32, #tpu.memory_space<vmem>>, %arg9: memref<1x1x2x256xf32, #tpu.memory_space<vmem>>) attributes {dimension_semantics = [#tpu.dimension_semantics<arbitrary>, #tpu.dimension_semantics<arbitrary>], iteration_bounds = array<i64: 8, 8>, scalar_prefetch = 0 : i64, scratch_operands = 0 : i64, tpu.core_type = #tpu.core_type<tc>, window_params = [{transform_indices = @transform_0, window_bounds = array<i64: 1, 1024, 256>}, {pipeline_mode = #tpu.pipeline_mode<synchronous>, transform_indices = @transform_1, window_bounds = array<i64: 8, 8, 2, 256>}, {pipeline_mode = #tpu.pipeline_mode<synchronous>, transform_indices = @transform_2, window_bounds = array<i64: 1, 256>}, {pipeline_mode = #tpu.pipeline_mode<synchronous>, transform_indices = @transform_3, window_bounds = array<i64: 1, 256>}, {pipeline_mode = #tpu.pipeline_mode<synchronous>, transform_indices = @transform_4, window_bounds = array<i64: 256, 256>}, {pipeline_mode = #tpu.pipeline_mode<synchronous>, transform_indices = @transform_5, window_bounds = array<i64: 1, 256>}, {transform_indices = @transform_6, window_bounds = array<i64: 1, 1024, 256>}, {transform_indices = @transform_7, window_bounds = array<i64: 1, 1, 2, 256>}]} {
    %get3A = arith.constant 0 : index
    %get3A_0 = arith.constant 0 : index
    %get3A_1 = arith.constant 0 : index
    %get3A_2 = vector.load %arg2[%get3A, %get3A_0, %get3A_1] : memref<1x1024x256xf32, #tpu.memory_space<vmem>>, vector<1x1024x256xf32>
    %get3A_3 = vector.shape_cast %get3A_2 : vector<1x1024x256xf32> to vector<1024x256xf32>
    %get3A_4 = arith.constant 0 : index
    %get3A_5 = arith.constant 0 : index
    %get3A_6 = arith.constant 0 : index
    %get3A_7 = arith.constant 0 : index
    %get3A_8 = vector.load %arg3[%get3A_4, %get3A_5, %get3A_6, %get3A_7] : memref<8x8x2x256xf32, #tpu.memory_space<vmem>>, vector<8x8x2x256xf32>
    %slice3A = vector.extract_strided_slice %get3A_8 {offsets = [0, 0, 0, 0], sizes = [8, 8, 1, 256], strides = [1, 1, 1, 1]} : vector<8x8x2x256xf32> to vector<8x8x1x256xf32>
    %squeeze3A = vector.shape_cast %slice3A : vector<8x8x1x256xf32> to vector<8x8x256xf32>
    %reduce_sum3A = arith.constant dense<0.000000e+00> : vector<256xf32>
    %reduce_sum3A_9 = vector.multi_reduction <add>, %squeeze3A, %reduce_sum3A [0, 1] : vector<8x8x256xf32> to vector<256xf32>
    %slice3A_10 = vector.extract_strided_slice %get3A_8 {offsets = [0, 0, 1, 0], sizes = [8, 8, 1, 256], strides = [1, 1, 1, 1]} : vector<8x8x2x256xf32> to vector<8x8x1x256xf32>
    %squeeze3A_11 = vector.shape_cast %slice3A_10 : vector<8x8x1x256xf32> to vector<8x8x256xf32>
    %reduce_sum3A_12 = arith.constant dense<0.000000e+00> : vector<256xf32>
    %reduce_sum3A_13 = vector.multi_reduction <add>, %squeeze3A_11, %reduce_sum3A_12 [0, 1] : vector<8x8x256xf32> to vector<256xf32>
    %div3A = arith.constant 6.553600e+04 : f32
    %div3A_14 = vector.broadcast %div3A : f32 to vector<256xf32>
    %div3A_15 = arith.divf %reduce_sum3A_9, %div3A_14 : vector<256xf32>
    %broadcast_in_dim3A = vector.shape_cast %div3A_15 : vector<256xf32> to vector<1x256xf32>
    %div3A_16 = arith.constant 6.553600e+04 : f32
    %div3A_17 = vector.broadcast %div3A_16 : f32 to vector<256xf32>
    %div3A_18 = arith.divf %reduce_sum3A_13, %div3A_17 : vector<256xf32>
    %broadcast_in_dim3A_19 = vector.shape_cast %div3A_18 : vector<256xf32> to vector<1x256xf32>
    %mul3A = arith.mulf %broadcast_in_dim3A, %broadcast_in_dim3A : vector<1x256xf32>
    %sub3A = arith.subf %broadcast_in_dim3A_19, %mul3A : vector<1x256xf32>
    %add3A = arith.constant 9.99999974E-6 : f32
    %add3A_20 = vector.broadcast %add3A : f32 to vector<1x256xf32>
    %add3A_21 = arith.addf %sub3A, %add3A_20 : vector<1x256xf32>
    %rsqrt3A = math.rsqrt %add3A_21 : vector<1x256xf32>
    %sub3A_22 = vector.broadcast %broadcast_in_dim3A : vector<1x256xf32> to vector<1024x256xf32>
    %sub3A_23 = arith.subf %get3A_3, %sub3A_22 : vector<1024x256xf32>
    %mul3A_24 = vector.broadcast %rsqrt3A : vector<1x256xf32> to vector<1024x256xf32>
    %mul3A_25 = arith.mulf %sub3A_23, %mul3A_24 : vector<1024x256xf32>
    %get3A_26 = arith.constant 0 : index
    %get3A_27 = arith.constant 0 : index
    %get3A_28 = vector.load %arg4[%get3A_26, %get3A_27] : memref<1x256xf32, #tpu.memory_space<vmem>>, vector<1x256xf32>
    %mul3A_29 = vector.broadcast %get3A_28 : vector<1x256xf32> to vector<1024x256xf32>
    %mul3A_30 = arith.mulf %mul3A_25, %mul3A_29 : vector<1024x256xf32>
    %get3A_31 = arith.constant 0 : index
    %get3A_32 = arith.constant 0 : index
    %get3A_33 = vector.load %arg5[%get3A_31, %get3A_32] : memref<1x256xf32, #tpu.memory_space<vmem>>, vector<1x256xf32>
    %add3A_34 = vector.broadcast %get3A_33 : vector<1x256xf32> to vector<1024x256xf32>
    %add3A_35 = arith.addf %mul3A_30, %add3A_34 : vector<1024x256xf32>
    %max3A = arith.constant 0.000000e+00 : f32
    %max3A_36 = vector.broadcast %max3A : f32 to vector<1024x256xf32>
    %max3A_37 = arith.maximumf %add3A_35, %max3A_36 : vector<1024x256xf32>
    %get3A_38 = arith.constant 0 : index
    %get3A_39 = arith.constant 0 : index
    %get3A_40 = vector.load %arg6[%get3A_38, %get3A_39] : memref<256x256xf32, #tpu.memory_space<vmem>>, vector<256x256xf32>
    %dot_general3A = arith.constant dense<0.000000e+00> : vector<1024x256xf32>
    %dot_general3A_41 = tpu.matmul %max3A_37, %get3A_40, %dot_general3A {dimension_numbers = #tpu.dot_dimension_numbers<[1], [0], [0], [1], [0, 0, 1, 1], [], []>, transpose_lhs_hint = false} : vector<1024x256xf32>, vector<256x256xf32>, vector<1024x256xf32> -> vector<1024x256xf32>
    %get3A_42 = arith.constant 0 : index
    %get3A_43 = arith.constant 0 : index
    %get3A_44 = vector.load %arg7[%get3A_42, %get3A_43] : memref<1x256xf32, #tpu.memory_space<vmem>>, vector<1x256xf32>
    %add3A_45 = vector.broadcast %get3A_44 : vector<1x256xf32> to vector<1024x256xf32>
    %add3A_46 = arith.addf %dot_general3A_41, %add3A_45 : vector<1024x256xf32>
    %swap3A = arith.constant 0 : index
    %swap3A_47 = arith.constant 0 : index
    %swap3A_48 = arith.constant 0 : index
    %swap3A_49 = vector.load %arg8[%swap3A, %swap3A_47, %swap3A_48] : memref<1x1024x256xf32, #tpu.memory_space<vmem>>, vector<1x1024x256xf32>
    %swap3A_50 = vector.shape_cast %swap3A_49 : vector<1x1024x256xf32> to vector<1024x256xf32>
    %swap3A_51 = vector.shape_cast %add3A_46 : vector<1024x256xf32> to vector<1x1024x256xf32>
    tpu.vector_store %arg8[%swap3A, %swap3A_47, %swap3A_48], %swap3A_51 {strides = array<i32>} : memref<1x1024x256xf32, #tpu.memory_space<vmem>>, vector<1x1024x256xf32>,
    %reduce_sum3A_52 = arith.constant dense<0.000000e+00> : vector<256xf32>
    %reduce_sum3A_53 = vector.multi_reduction <add>, %add3A_46, %reduce_sum3A_52 [0] : vector<1024x256xf32> to vector<256xf32>
    %broadcast_in_dim3A_54 = vector.shape_cast %reduce_sum3A_53 : vector<256xf32> to vector<1x256xf32>
    %swap3A_55 = arith.constant 0 : index
    %swap3A_56 = arith.constant 0 : index
    %swap3A_57 = arith.constant 0 : index
    %swap3A_58 = arith.constant 0 : index
    %swap3A_59 = vector.load %arg9[%swap3A_55, %swap3A_56, %swap3A_57, %swap3A_58] : memref<1x1x2x256xf32, #tpu.memory_space<vmem>>, vector<1x1x1x256xf32>
    %swap3A_60 = vector.shape_cast %swap3A_59 : vector<1x1x1x256xf32> to vector<1x256xf32>
    %swap3A_61 = vector.shape_cast %broadcast_in_dim3A_54 : vector<1x256xf32> to vector<1x1x1x256xf32>
    tpu.vector_store %arg9[%swap3A_55, %swap3A_56, %swap3A_57, %swap3A_58], %swap3A_61 {strides = array<i32>} : memref<1x1x2x256xf32, #tpu.memory_space<vmem>>, vector<1x1x1x256xf32>,
    %mul3A_62 = arith.mulf %add3A_46, %add3A_46 : vector<1024x256xf32>
    %reduce_sum3A_63 = arith.constant dense<0.000000e+00> : vector<256xf32>
    %reduce_sum3A_64 = vector.multi_reduction <add>, %mul3A_62, %reduce_sum3A_63 [0] : vector<1024x256xf32> to vector<256xf32>
    %broadcast_in_dim3A_65 = vector.shape_cast %reduce_sum3A_64 : vector<256xf32> to vector<1x256xf32>
    %swap3A_66 = arith.constant 0 : index
    %swap3A_67 = arith.constant 0 : index
    %swap3A_68 = arith.constant 1 : index
    %swap3A_69 = arith.constant 0 : index
    %swap3A_70 = vector.load %arg9[%swap3A_66, %swap3A_67, %swap3A_68, %swap3A_69] : memref<1x1x2x256xf32, #tpu.memory_space<vmem>>, vector<1x1x1x256xf32>
    %swap3A_71 = vector.shape_cast %swap3A_70 : vector<1x1x1x256xf32> to vector<1x256xf32>
    %swap3A_72 = vector.shape_cast %broadcast_in_dim3A_65 : vector<1x256xf32> to vector<1x1x1x256xf32>
    tpu.vector_store %arg9[%swap3A_66, %swap3A_67, %swap3A_68, %swap3A_69], %swap3A_72 {strides = array<i32>} : memref<1x1x2x256xf32, #tpu.memory_space<vmem>>, vector<1x1x1x256xf32>,
    return
  }
  func.func @transform_0(%arg0: i32, %arg1: i32) -> (i32, i32, i32) {
    %c0_i32 = arith.constant 0 : i32
    %c0_i32_0 = arith.constant 0 : i32
    return %arg0, %arg1, %c0_i32 : i32, i32, i32
  }
  func.func @transform_1(%arg0: i32, %arg1: i32) -> (i32, i32, i32, i32) {
    %c0_i32 = arith.constant 0 : i32
    %c0_i32_0 = arith.constant 0 : i32
    %c0_i32_1 = arith.constant 0 : i32
    %c0_i32_2 = arith.constant 0 : i32
    %c0_i32_3 = arith.constant 0 : i32
    return %c0_i32, %c0_i32_0, %c0_i32_1, %c0_i32_2 : i32, i32, i32, i32
  }
  func.func @transform_2(%arg0: i32, %arg1: i32) -> (i32, i32) {
    %c0_i32 = arith.constant 0 : i32
    %c0_i32_0 = arith.constant 0 : i32
    %c0_i32_1 = arith.constant 0 : i32
    return %c0_i32, %c0_i32_0 : i32, i32
  }
  func.func @transform_3(%arg0: i32, %arg1: i32) -> (i32, i32) {
    %c0_i32 = arith.constant 0 : i32
    %c0_i32_0 = arith.constant 0 : i32
    %c0_i32_1 = arith.constant 0 : i32
    return %c0_i32, %c0_i32_0 : i32, i32
  }
  func.func @transform_4(%arg0: i32, %arg1: i32) -> (i32, i32) {
    %c0_i32 = arith.constant 0 : i32
    %c0_i32_0 = arith.constant 0 : i32
    %c0_i32_1 = arith.constant 0 : i32
    return %c0_i32, %c0_i32_0 : i32, i32
  }
  func.func @transform_5(%arg0: i32, %arg1: i32) -> (i32, i32) {
    %c0_i32 = arith.constant 0 : i32
    %c0_i32_0 = arith.constant 0 : i32
    %c0_i32_1 = arith.constant 0 : i32
    return %c0_i32, %c0_i32_0 : i32, i32
  }
  func.func @transform_6(%arg0: i32, %arg1: i32) -> (i32, i32, i32) {
    %c0_i32 = arith.constant 0 : i32
    %c0_i32_0 = arith.constant 0 : i32
    return %arg0, %arg1, %c0_i32 : i32, i32, i32
  }
  func.func @transform_7(%arg0: i32, %arg1: i32) -> (i32, i32, i32, i32) {
    %c0_i32 = arith.constant 0 : i32
    %c0_i32_0 = arith.constant 0 : i32
    %c0_i32_1 = arith.constant 0 : i32
    return %arg0, %arg1, %c0_i32, %c0_i32_0 : i32, i32, i32, i32
  }
}

module attributes {stable_mosaic.version = 14 : i64} {
  func.func @_k2_body(%arg0: i32, %arg1: i32, %arg2: memref<1x1024x256xf32, #tpu.memory_space<vmem>>, %arg3: memref<1x128x1024xf32, #tpu.memory_space<vmem>>, %arg4: memref<256x256xf32, #tpu.memory_space<vmem>>, %arg5: memref<128x256xf32, #tpu.memory_space<vmem>>, %arg6: memref<1x256xf32, #tpu.memory_space<vmem>>, %arg7: memref<1x1024x256xf32, #tpu.memory_space<vmem>>, %arg8: memref<1x1x2x256xf32, #tpu.memory_space<vmem>>) attributes {dimension_semantics = [#tpu.dimension_semantics<arbitrary>, #tpu.dimension_semantics<arbitrary>], iteration_bounds = array<i64: 8, 8>, scalar_prefetch = 0 : i64, scratch_operands = 0 : i64, tpu.core_type = #tpu.core_type<tc>, window_params = [{transform_indices = @transform_0, window_bounds = array<i64: 1, 1024, 256>}, {transform_indices = @transform_1, window_bounds = array<i64: 1, 128, 1024>}, {pipeline_mode = #tpu.pipeline_mode<synchronous>, transform_indices = @transform_2, window_bounds = array<i64: 256, 256>}, {pipeline_mode = #tpu.pipeline_mode<synchronous>, transform_indices = @transform_3, window_bounds = array<i64: 128, 256>}, {pipeline_mode = #tpu.pipeline_mode<synchronous>, transform_indices = @transform_4, window_bounds = array<i64: 1, 256>}, {transform_indices = @transform_5, window_bounds = array<i64: 1, 1024, 256>}, {transform_indices = @transform_6, window_bounds = array<i64: 1, 1, 2, 256>}]} {
    %get3A = arith.constant 0 : index
    %get3A_0 = arith.constant 0 : index
    %get3A_1 = arith.constant 0 : index
    %get3A_2 = vector.load %arg2[%get3A, %get3A_0, %get3A_1] : memref<1x1024x256xf32, #tpu.memory_space<vmem>>, vector<1x1024x256xf32>
    %get3A_3 = vector.shape_cast %get3A_2 : vector<1x1024x256xf32> to vector<1024x256xf32>
    %get3A_4 = arith.constant 0 : index
    %get3A_5 = arith.constant 0 : index
    %get3A_6 = vector.load %arg4[%get3A_4, %get3A_5] : memref<256x256xf32, #tpu.memory_space<vmem>>, vector<256x256xf32>
    %dot_general3A = arith.constant dense<0.000000e+00> : vector<1024x256xf32>
    %dot_general3A_7 = tpu.matmul %get3A_3, %get3A_6, %dot_general3A {dimension_numbers = #tpu.dot_dimension_numbers<[1], [0], [0], [1], [0, 0, 1, 1], [], []>, transpose_lhs_hint = false} : vector<1024x256xf32>, vector<256x256xf32>, vector<1024x256xf32> -> vector<1024x256xf32>
    %get3A_8 = arith.constant 0 : index
    %get3A_9 = arith.constant 0 : index
    %get3A_10 = arith.constant 0 : index
    %get3A_11 = vector.load %arg3[%get3A_8, %get3A_9, %get3A_10] : memref<1x128x1024xf32, #tpu.memory_space<vmem>>, vector<1x128x1024xf32>
    %get3A_12 = vector.shape_cast %get3A_11 : vector<1x128x1024xf32> to vector<128x1024xf32>
    %get3A_13 = arith.constant 0 : index
    %get3A_14 = arith.constant 0 : index
    %get3A_15 = vector.load %arg5[%get3A_13, %get3A_14] : memref<128x256xf32, #tpu.memory_space<vmem>>, vector<128x256xf32>
    %dot_general3A_16 = arith.constant dense<0.000000e+00> : vector<1024x256xf32>
    %dot_general3A_17 = tpu.matmul %get3A_12, %get3A_15, %dot_general3A_16 {dimension_numbers = #tpu.dot_dimension_numbers<[0], [0], [1], [1], [0, 1, 1, 1], [], []>, transpose_lhs_hint = false} : vector<128x1024xf32>, vector<128x256xf32>, vector<1024x256xf32> -> vector<1024x256xf32>
    %add3A = arith.addf %dot_general3A_7, %dot_general3A_17 : vector<1024x256xf32>
    %get3A_18 = arith.constant 0 : index
    %get3A_19 = arith.constant 0 : index
    %get3A_20 = vector.load %arg6[%get3A_18, %get3A_19] : memref<1x256xf32, #tpu.memory_space<vmem>>, vector<1x256xf32>
    %add3A_21 = vector.broadcast %get3A_20 : vector<1x256xf32> to vector<1024x256xf32>
    %add3A_22 = arith.addf %add3A, %add3A_21 : vector<1024x256xf32>
    %swap3A = arith.constant 0 : index
    %swap3A_23 = arith.constant 0 : index
    %swap3A_24 = arith.constant 0 : index
    %swap3A_25 = vector.load %arg7[%swap3A, %swap3A_23, %swap3A_24] : memref<1x1024x256xf32, #tpu.memory_space<vmem>>, vector<1x1024x256xf32>
    %swap3A_26 = vector.shape_cast %swap3A_25 : vector<1x1024x256xf32> to vector<1024x256xf32>
    %swap3A_27 = vector.shape_cast %add3A_22 : vector<1024x256xf32> to vector<1x1024x256xf32>
    tpu.vector_store %arg7[%swap3A, %swap3A_23, %swap3A_24], %swap3A_27 {strides = array<i32>} : memref<1x1024x256xf32, #tpu.memory_space<vmem>>, vector<1x1024x256xf32>,
    %reduce_sum3A = arith.constant dense<0.000000e+00> : vector<256xf32>
    %reduce_sum3A_28 = vector.multi_reduction <add>, %add3A_22, %reduce_sum3A [0] : vector<1024x256xf32> to vector<256xf32>
    %broadcast_in_dim3A = vector.shape_cast %reduce_sum3A_28 : vector<256xf32> to vector<1x256xf32>
    %swap3A_29 = arith.constant 0 : index
    %swap3A_30 = arith.constant 0 : index
    %swap3A_31 = arith.constant 0 : index
    %swap3A_32 = arith.constant 0 : index
    %swap3A_33 = vector.load %arg8[%swap3A_29, %swap3A_30, %swap3A_31, %swap3A_32] : memref<1x1x2x256xf32, #tpu.memory_space<vmem>>, vector<1x1x1x256xf32>
    %swap3A_34 = vector.shape_cast %swap3A_33 : vector<1x1x1x256xf32> to vector<1x256xf32>
    %swap3A_35 = vector.shape_cast %broadcast_in_dim3A : vector<1x256xf32> to vector<1x1x1x256xf32>
    tpu.vector_store %arg8[%swap3A_29, %swap3A_30, %swap3A_31, %swap3A_32], %swap3A_35 {strides = array<i32>} : memref<1x1x2x256xf32, #tpu.memory_space<vmem>>, vector<1x1x1x256xf32>,
    %mul3A = arith.mulf %add3A_22, %add3A_22 : vector<1024x256xf32>
    %reduce_sum3A_36 = arith.constant dense<0.000000e+00> : vector<256xf32>
    %reduce_sum3A_37 = vector.multi_reduction <add>, %mul3A, %reduce_sum3A_36 [0] : vector<1024x256xf32> to vector<256xf32>
    %broadcast_in_dim3A_38 = vector.shape_cast %reduce_sum3A_37 : vector<256xf32> to vector<1x256xf32>
    %swap3A_39 = arith.constant 0 : index
    %swap3A_40 = arith.constant 0 : index
    %swap3A_41 = arith.constant 1 : index
    %swap3A_42 = arith.constant 0 : index
    %swap3A_43 = vector.load %arg8[%swap3A_39, %swap3A_40, %swap3A_41, %swap3A_42] : memref<1x1x2x256xf32, #tpu.memory_space<vmem>>, vector<1x1x1x256xf32>
    %swap3A_44 = vector.shape_cast %swap3A_43 : vector<1x1x1x256xf32> to vector<1x256xf32>
    %swap3A_45 = vector.shape_cast %broadcast_in_dim3A_38 : vector<1x256xf32> to vector<1x1x1x256xf32>
    tpu.vector_store %arg8[%swap3A_39, %swap3A_40, %swap3A_41, %swap3A_42], %swap3A_45 {strides = array<i32>} : memref<1x1x2x256xf32, #tpu.memory_space<vmem>>, vector<1x1x1x256xf32>,
    return
  }
  func.func @transform_0(%arg0: i32, %arg1: i32) -> (i32, i32, i32) {
    %c0_i32 = arith.constant 0 : i32
    %c0_i32_0 = arith.constant 0 : i32
    return %arg0, %arg1, %c0_i32 : i32, i32, i32
  }
  func.func @transform_1(%arg0: i32, %arg1: i32) -> (i32, i32, i32) {
    %c0_i32 = arith.constant 0 : i32
    %c0_i32_0 = arith.constant 0 : i32
    return %arg0, %c0_i32, %arg1 : i32, i32, i32
  }
  func.func @transform_2(%arg0: i32, %arg1: i32) -> (i32, i32) {
    %c0_i32 = arith.constant 0 : i32
    %c0_i32_0 = arith.constant 0 : i32
    %c0_i32_1 = arith.constant 0 : i32
    return %c0_i32, %c0_i32_0 : i32, i32
  }
  func.func @transform_3(%arg0: i32, %arg1: i32) -> (i32, i32) {
    %c0_i32 = arith.constant 0 : i32
    %c0_i32_0 = arith.constant 0 : i32
    %c0_i32_1 = arith.constant 0 : i32
    return %c0_i32, %c0_i32_0 : i32, i32
  }
  func.func @transform_4(%arg0: i32, %arg1: i32) -> (i32, i32) {
    %c0_i32 = arith.constant 0 : i32
    %c0_i32_0 = arith.constant 0 : i32
    %c0_i32_1 = arith.constant 0 : i32
    return %c0_i32, %c0_i32_0 : i32, i32
  }
  func.func @transform_5(%arg0: i32, %arg1: i32) -> (i32, i32, i32) {
    %c0_i32 = arith.constant 0 : i32
    %c0_i32_0 = arith.constant 0 : i32
    return %arg0, %arg1, %c0_i32 : i32, i32, i32
  }
  func.func @transform_6(%arg0: i32, %arg1: i32) -> (i32, i32, i32, i32) {
    %c0_i32 = arith.constant 0 : i32
    %c0_i32_0 = arith.constant 0 : i32
    %c0_i32_1 = arith.constant 0 : i32
    return %arg0, %arg1, %c0_i32, %c0_i32_0 : i32, i32, i32, i32
  }
}

module attributes {stable_mosaic.version = 14 : i64} {
  func.func @_k4_body(%arg0: i32, %arg1: i32, %arg2: memref<1x1024x256xf32, #tpu.memory_space<vmem>>, %arg3: memref<8x8x2x256xf32, #tpu.memory_space<vmem>>, %arg4: memref<1x256xf32, #tpu.memory_space<vmem>>, %arg5: memref<1x256xf32, #tpu.memory_space<vmem>>, %arg6: memref<1x256x1024xf32, #tpu.memory_space<vmem>>) attributes {dimension_semantics = [#tpu.dimension_semantics<arbitrary>, #tpu.dimension_semantics<arbitrary>], iteration_bounds = array<i64: 8, 8>, scalar_prefetch = 0 : i64, scratch_operands = 0 : i64, tpu.core_type = #tpu.core_type<tc>, window_params = [{transform_indices = @transform_0, window_bounds = array<i64: 1, 1024, 256>}, {pipeline_mode = #tpu.pipeline_mode<synchronous>, transform_indices = @transform_1, window_bounds = array<i64: 8, 8, 2, 256>}, {pipeline_mode = #tpu.pipeline_mode<synchronous>, transform_indices = @transform_2, window_bounds = array<i64: 1, 256>}, {pipeline_mode = #tpu.pipeline_mode<synchronous>, transform_indices = @transform_3, window_bounds = array<i64: 1, 256>}, {transform_indices = @transform_4, window_bounds = array<i64: 1, 256, 1024>}]} {
    %get3A = arith.constant 0 : index
    %get3A_0 = arith.constant 0 : index
    %get3A_1 = arith.constant 0 : index
    %get3A_2 = vector.load %arg2[%get3A, %get3A_0, %get3A_1] : memref<1x1024x256xf32, #tpu.memory_space<vmem>>, vector<1x1024x256xf32>
    %get3A_3 = vector.shape_cast %get3A_2 : vector<1x1024x256xf32> to vector<1024x256xf32>
    %get3A_4 = arith.constant 0 : index
    %get3A_5 = arith.constant 0 : index
    %get3A_6 = arith.constant 0 : index
    %get3A_7 = arith.constant 0 : index
    %get3A_8 = vector.load %arg3[%get3A_4, %get3A_5, %get3A_6, %get3A_7] : memref<8x8x2x256xf32, #tpu.memory_space<vmem>>, vector<8x8x2x256xf32>
    %slice3A = vector.extract_strided_slice %get3A_8 {offsets = [0, 0, 0, 0], sizes = [8, 8, 1, 256], strides = [1, 1, 1, 1]} : vector<8x8x2x256xf32> to vector<8x8x1x256xf32>
    %squeeze3A = vector.shape_cast %slice3A : vector<8x8x1x256xf32> to vector<8x8x256xf32>
    %reduce_sum3A = arith.constant dense<0.000000e+00> : vector<256xf32>
    %reduce_sum3A_9 = vector.multi_reduction <add>, %squeeze3A, %reduce_sum3A [0, 1] : vector<8x8x256xf32> to vector<256xf32>
    %slice3A_10 = vector.extract_strided_slice %get3A_8 {offsets = [0, 0, 1, 0], sizes = [8, 8, 1, 256], strides = [1, 1, 1, 1]} : vector<8x8x2x256xf32> to vector<8x8x1x256xf32>
    %squeeze3A_11 = vector.shape_cast %slice3A_10 : vector<8x8x1x256xf32> to vector<8x8x256xf32>
    %reduce_sum3A_12 = arith.constant dense<0.000000e+00> : vector<256xf32>
    %reduce_sum3A_13 = vector.multi_reduction <add>, %squeeze3A_11, %reduce_sum3A_12 [0, 1] : vector<8x8x256xf32> to vector<256xf32>
    %div3A = arith.constant 6.553600e+04 : f32
    %div3A_14 = vector.broadcast %div3A : f32 to vector<256xf32>
    %div3A_15 = arith.divf %reduce_sum3A_9, %div3A_14 : vector<256xf32>
    %broadcast_in_dim3A = vector.shape_cast %div3A_15 : vector<256xf32> to vector<1x256xf32>
    %div3A_16 = arith.constant 6.553600e+04 : f32
    %div3A_17 = vector.broadcast %div3A_16 : f32 to vector<256xf32>
    %div3A_18 = arith.divf %reduce_sum3A_13, %div3A_17 : vector<256xf32>
    %broadcast_in_dim3A_19 = vector.shape_cast %div3A_18 : vector<256xf32> to vector<1x256xf32>
    %mul3A = arith.mulf %broadcast_in_dim3A, %broadcast_in_dim3A : vector<1x256xf32>
    %sub3A = arith.subf %broadcast_in_dim3A_19, %mul3A : vector<1x256xf32>
    %add3A = arith.constant 9.99999974E-6 : f32
    %add3A_20 = vector.broadcast %add3A : f32 to vector<1x256xf32>
    %add3A_21 = arith.addf %sub3A, %add3A_20 : vector<1x256xf32>
    %rsqrt3A = math.rsqrt %add3A_21 : vector<1x256xf32>
    %sub3A_22 = vector.broadcast %broadcast_in_dim3A : vector<1x256xf32> to vector<1024x256xf32>
    %sub3A_23 = arith.subf %get3A_3, %sub3A_22 : vector<1024x256xf32>
    %mul3A_24 = vector.broadcast %rsqrt3A : vector<1x256xf32> to vector<1024x256xf32>
    %mul3A_25 = arith.mulf %sub3A_23, %mul3A_24 : vector<1024x256xf32>
    %get3A_26 = arith.constant 0 : index
    %get3A_27 = arith.constant 0 : index
    %get3A_28 = vector.load %arg4[%get3A_26, %get3A_27] : memref<1x256xf32, #tpu.memory_space<vmem>>, vector<1x256xf32>
    %mul3A_29 = vector.broadcast %get3A_28 : vector<1x256xf32> to vector<1024x256xf32>
    %mul3A_30 = arith.mulf %mul3A_25, %mul3A_29 : vector<1024x256xf32>
    %get3A_31 = arith.constant 0 : index
    %get3A_32 = arith.constant 0 : index
    %get3A_33 = vector.load %arg5[%get3A_31, %get3A_32] : memref<1x256xf32, #tpu.memory_space<vmem>>, vector<1x256xf32>
    %add3A_34 = vector.broadcast %get3A_33 : vector<1x256xf32> to vector<1024x256xf32>
    %add3A_35 = arith.addf %mul3A_30, %add3A_34 : vector<1024x256xf32>
    %max3A = arith.constant 0.000000e+00 : f32
    %max3A_36 = vector.broadcast %max3A : f32 to vector<1024x256xf32>
    %max3A_37 = arith.maximumf %add3A_35, %max3A_36 : vector<1024x256xf32>
    %transpose3A = tpu.transpose %max3A_37, [1, 0] : vector<1024x256xf32> -> vector<256x1024xf32>
    %swap3A = arith.constant 0 : index
    %swap3A_38 = arith.constant 0 : index
    %swap3A_39 = arith.constant 0 : index
    %swap3A_40 = vector.load %arg6[%swap3A, %swap3A_38, %swap3A_39] : memref<1x256x1024xf32, #tpu.memory_space<vmem>>, vector<1x256x1024xf32>
    %swap3A_41 = vector.shape_cast %swap3A_40 : vector<1x256x1024xf32> to vector<256x1024xf32>
    %swap3A_42 = vector.shape_cast %transpose3A : vector<256x1024xf32> to vector<1x256x1024xf32>
    tpu.vector_store %arg6[%swap3A, %swap3A_38, %swap3A_39], %swap3A_42 {strides = array<i32>} : memref<1x256x1024xf32, #tpu.memory_space<vmem>>, vector<1x256x1024xf32>,
    return
  }
  func.func @transform_0(%arg0: i32, %arg1: i32) -> (i32, i32, i32) {
    %c0_i32 = arith.constant 0 : i32
    %c0_i32_0 = arith.constant 0 : i32
    return %arg0, %arg1, %c0_i32 : i32, i32, i32
  }
  func.func @transform_1(%arg0: i32, %arg1: i32) -> (i32, i32, i32, i32) {
    %c0_i32 = arith.constant 0 : i32
    %c0_i32_0 = arith.constant 0 : i32
    %c0_i32_1 = arith.constant 0 : i32
    %c0_i32_2 = arith.constant 0 : i32
    %c0_i32_3 = arith.constant 0 : i32
    return %c0_i32, %c0_i32_0, %c0_i32_1, %c0_i32_2 : i32, i32, i32, i32
  }
  func.func @transform_2(%arg0: i32, %arg1: i32) -> (i32, i32) {
    %c0_i32 = arith.constant 0 : i32
    %c0_i32_0 = arith.constant 0 : i32
    %c0_i32_1 = arith.constant 0 : i32
    return %c0_i32, %c0_i32_0 : i32, i32
  }
  func.func @transform_3(%arg0: i32, %arg1: i32) -> (i32, i32) {
    %c0_i32 = arith.constant 0 : i32
    %c0_i32_0 = arith.constant 0 : i32
    %c0_i32_1 = arith.constant 0 : i32
    return %c0_i32, %c0_i32_0 : i32, i32
  }
  func.func @transform_4(%arg0: i32, %arg1: i32) -> (i32, i32, i32) {
    %c0_i32 = arith.constant 0 : i32
    %c0_i32_0 = arith.constant 0 : i32
    return %arg0, %c0_i32, %arg1 : i32, i32, i32
  }
}

</mosaic_0001>

<sc_bundles>
// kernel: kernel.7.cloned.1.call-start
scs
__scs_entry_jumppad:
0x0: {  	(pc) =	sbr.rel $0x88, $3  }
0x1: {  	(tag) =	ssettag $0x0;
	lr =	simm.s32 $0x1  }
0x2: {  	[smem:$0x3F95] =	sst lr;
	_ =	strace $0xD0000000  }
0x3: {  	_ = 	snop  }
0x4: {  	_ = 	snop  }
0x5: {  	_ = 	snop  }
0x6: {  	_ = 	snop  }
0x7: {  	_ = 	snop  }
__scs_overlays_trampoline_lowered:
0x8: {  	[smem:$0x3FA4] =	sst s0  }
0x9: {  	[smem:$0x3FA5] =	sst s1  }
0xa: {  	[smem:$0x3FA6] =	sst s2  }
0xb: {  	[smem:$0x3FA7] =	sst s3  }
0xc: {  	[smem:$0x3FA8] =	sst s4  }
0xd: {  	[smem:$0x3FA9] =	sst s5  }
0xe: {  	[smem:$0x3FAA] =	sst s6  }
0xf: {  	[smem:$0x3FAB] =	sst s7  }
0x10: {  	[smem:$0x3FAC] =	sst s8  }
0x11: {  	[smem:$0x3FAD] =	sst s9;
	s0 =	simm.s32 @!p0 $0x0  }
0x12: {  	s1 =	sld [smem:$0x3F93];
	s0 =	simm.s32 @p0 $0x1  }
0x13: {  	[smem:$0x3FAE] =	sst s0;
	s0 =	simm.s32 @!p1 $0x0  }
0x14: {  	s2 =	sld [smem:$0x3F92];
	s0 =	simm.s32 @p1 $0x1  }
0x15: {  	[smem:$0x3FAF] =	sst s0;
	s0 =	simm.s32 @!p2 $0x0  }
0x16: {  	s3 =	sld [smem:$0x3FDB];
	s0 =	simm.s32 @p2 $0x1  }
0x17: {  	s4 =	simm.s32 $0x1BF5;
	[smem:$0x3FB1] =	sst s0  }
0x18: {  	s0 =	sld [smem:$0x3F94];
	_ =	swait.ge [sflag:s4], $0x0  }
0x19: {  	s7 =	sld [smem:$0x3F95]  }
0x1a: {  	s8 =	sadd.s32 $0xFFFFE003, lr  }
0x1b: {  	s9 =	sadd.s32 $0xFFFFFEF7, lr;
	s5 =	simm.s32 $0xFFFFFFFF;
	p2 =	slt.u32 s8, $0xFFFFF086  }
0x1c: {  	p1 =	slt.u32 s9, $0xF7A;
	s5 =	simm.s32 @!p2 $0x0  }
0x1d: {  	s5 =	simm.s32 @p1 $0x1;
	p0 =	seq.s32 s7, s2  }
0x1e: {  	s7 =	smul.u32 @!p0 $0xF7A, s2;
	p2 =	seq.s32 @!p0 s5, $0x0  }
0x1f: {  	s9 =	smul.u32 $0xF7A, s1;
	s8 =	simm.s32 @!p0 $0x1BF5;
	p2 =	por !p2, p0  }
0x20: {  	[sflag:s8] =	ssyncset.s32 @!p0 $0xFFFFF086;
	s6 =	sadd.s32 @!p0 s3, s7;
	s7 =	simm.s32 @!p0 $0x108  }
0x21: {  	s3 =	sadd.s32 s3, s9;
	s6 =	sadd.s32 @!p0 $0x88, s6;
	s7 =	simm.s32 @p2 $0x1082  }
0x22: {  	[simem:s7], [sflag:s8] =	dma.local @!p0 [hbm:s6], $0xF7A  }
0x23: {  	s9 =	sor.u32 $0xD0000000, s2;
	s6 =	simm.s32 $0x108;
	_ =	swait.ge @!p0 [sflag:s8], $0x0  }
0x24: {  	s3 =	sadd.s32 $0x88, s3;
	s6 =	simm.s32 @!p1 $0x1082;
	[sflag:s4] =	ssyncset.s32 $0xFFFFF086  }
0x25: {  	[simem:s6], [sflag:s4] =	dma.local [hbm:s3], $0xF7A  }
0x26: {  	[smem:$0x3F95] =	sst s1;
	(tag) =	ssettag s2;
	_ =	strace s9  }
0x27: {  	s1 =	sld [smem:$0x3FA5]  }
0x28: {  	s2 =	sld [smem:$0x3FA6]  }
0x29: {  	s4 =	sld [smem:$0x3FA8]  }
0x2a: {  	p0 =	seq.s32 s5, $0x0;
	s5 =	sld [smem:$0x3FA9]  }
0x2b: {  	s6 =	sld [smem:$0x3FAA]  }
0x2c: {  	s7 =	sld [smem:$0x3FAB]  }
0x2d: {  	s3 =	simm.s32 $0x108;
	s8 =	sld [smem:$0x3FAC]  }
0x2e: {  	s3 =	simm.s32 @!p0 $0x1082;
	s9 =	sld [smem:$0x3FAD]  }
0x2f: {  	lr =	sadd.s32 s0, s3;
	s0 =	sld [smem:$0x3FA4]  }
0x30: {  	s3 =	sld [smem:$0x3FA7]  }
0x31: {  	[smem:$0x3FB0] =	sst s10  }
0x32: {  	s10 =	sld [smem:$0x3FAE];
	_ =	sdelay $0x3  }
0x33: {  	p0 =	seq.s32 s10, $0x1;
	s10 =	sld [smem:$0x3FB0];
	_ =	sdelay $0x3  }
0x34: {  	[smem:$0x3FB0] =	sst s10  }
0x35: {  	s10 =	sld [smem:$0x3FAF];
	_ =	sdelay $0x3  }
0x36: {  	p1 =	seq.s32 s10, $0x1;
	s10 =	sld [smem:$0x3FB0];
	_ =	sdelay $0x3  }
0x37: {  	[smem:$0x3FB0] =	sst s10  }
0x38: {  	s10 =	sld [smem:$0x3FB1]  }
0x39: {  	_ = 	snop;
	(pc) =	sbr.ind lr, $3  }
0x3a: {  	_ = 	snop  }
0x3b: {  	_ = 	snop  }
0x3c: {  	p2 =	seq.s32 s10, $0x1;
	s10 =	sld [smem:$0x3FB0]  }
0x3d: {  	_ =	shalt  }
0x3e: {  	_ =	shalt  }
0x3f: {  	_ =	shalt  }
0x40: {  	_ =	shalt  }
0x41: {  	_ =	shalt  }
0x42: {  	_ =	shalt  }
0x43: {  	_ =	shalt  }
0x44: {  	_ =	shalt  }
0x45: {  	_ =	shalt  }
0x46: {  	_ =	shalt  }
0x47: {  	_ =	shalt  }
0x48: {  	_ =	shalt  }
0x49: {  	_ =	shalt  }
0x4a: {  	_ =	shalt  }
0x4b: {  	_ =	shalt  }
0x4c: {  	_ =	shalt  }
0x4d: {  	_ =	shalt  }
0x4e: {  	_ =	shalt  }
0x4f: {  	_ =	shalt  }
0x50: {  	_ =	shalt  }
0x51: {  	_ =	shalt  }
0x52: {  	_ =	shalt  }
0x53: {  	_ =	shalt  }
0x54: {  	_ =	shalt  }
0x55: {  	_ =	shalt  }
0x56: {  	_ =	shalt  }
0x57: {  	_ =	shalt  }
0x58: {  	_ =	shalt  }
0x59: {  	_ =	shalt  }
0x5a: {  	_ =	shalt  }
0x5b: {  	_ =	shalt  }
0x5c: {  	_ =	shalt  }
0x5d: {  	_ =	shalt  }
0x5e: {  	_ =	shalt  }
0x5f: {  	_ =	shalt  }
0x60: {  	_ =	shalt  }
0x61: {  	_ =	shalt  }
0x62: {  	_ =	shalt  }
0x63: {  	_ =	shalt  }
0x64: {  	_ =	shalt  }
0x65: {  	_ =	shalt  }
0x66: {  	_ =	shalt  }
0x67: {  	_ =	shalt  }
0x68: {  	_ =	shalt  }
0x69: {  	_ =	shalt  }
0x6a: {  	_ =	shalt  }
0x6b: {  	_ =	shalt  }
0x6c: {  	_ =	shalt  }
0x6d: {  	_ =	shalt  }
0x6e: {  	_ =	shalt  }
0x6f: {  	_ =	shalt  }
0x70: {  	_ =	shalt  }
0x71: {  	_ =	shalt  }
0x72: {  	_ =	shalt  }
0x73: {  	_ =	shalt  }
0x74: {  	_ =	shalt  }
0x75: {  	_ =	shalt  }
0x76: {  	_ =	shalt  }
0x77: {  	_ =	shalt  }
0x78: {  	_ =	shalt  }
0x79: {  	_ =	shalt  }
0x7a: {  	_ =	shalt  }
0x7b: {  	_ =	shalt  }
0x7c: {  	_ =	shalt  }
0x7d: {  	_ =	shalt  }
0x7e: {  	_ =	shalt  }
0x7f: {  	_ =	shalt  }
0x80: {  	_ =	shalt  }
0x81: {  	_ =	shalt  }
0x82: {  	_ =	shalt  }
0x83: {  	_ =	shalt  }
0x84: {  	_ =	shalt  }
0x85: {  	_ =	shalt  }
0x86: {  	_ =	shalt  }
0x87: {  	_ =	shalt  }
.Lfunc_end0:
.L_simem_size_0:
called_computation_lowered:
.L_overlay_start_0:
0x88: {  	s2 =	sld [smem:$0x3FD9]  }
0x89: {  	s3 =	sld [smem:$0x3FFE];
	_ =	sdelay $0x1  }
0x8a: {  	s1 =	srdreg.scid  }
0x8b: {  	s0 =	sand.u32 $0x1, s1  }
0x8c: {  	s17 =	sshll.u32 s0, $0xA;
	s2 =	sadd.s32 s3, s2  }
0x8d: {  	s2 =	sadd.s32 s2, s17  }
0x8e: {  	[smem:$0x3FBC] =	sst s2  }
0x8f: {  	_ = 	snop  }
0x90: {  	s2 =	sld [smem:$0x3FD0];
	(tm) =	ssettm $0x1  }
0x91: {  	s18 =	sld [smem:$0x3FFB];
	_ =	sdelay $0x3  }
0x92: {  	_ =	strace s18  }
0x93: {  	s3 =	sld [smem:$0x3FFC];
	_ =	sdelay $0x3  }
0x94: {  	_ =	strace s3  }
0x95: {  	s3 =	sld [smem:$0x3FFD];
	_ =	sdelay $0x3  }
0x96: {  	_ =	strace s3  }
0x97: {  	_ =	strace $0x8FFFFFFF  }
0x98: {  	s19 =	sld [smem:$0x3FDB];
	_ =	sdelay $0x1  }
0x99: {  	s4 =	simm.s32 $_scs_section_size  }
0x9a: {  	s5 =	simm.s32 $_size__tile_overlayer_lowered;
	s6 =	simm.s32 $_tile_overlayer_lowered  }
0x9b: {  	s22 =	simm.s32 $0x1BFF;
	s21 =	sshll.u32 s6, $0x1;
	s3 =	sadd.s32 s4, s19  }
0x9c: {  	s7 =	simm.s32 $0x0;
	s20 =	sshll.u32 s5, $0x1;
	s5 =	sadd.s32 s21, s3  }
0x9d: {  	[timem:s7], [sflag:s22] =	dma.local [hbm:s5], s20  }
0x9e: {  	_ =	swait.ge [sflag:s22], s20  }
0x9f: {  	s4 =	ssub.s32 $0x0, s20;
	[sflag:s22] =	ssyncset.done $0x0  }
0xa0: {  	[sflag:s22] =	ssyncadd.s32 s4;
	_ =	sdelay $0x1  }
0xa1: {  	s23 =	simm.s32 $0x1B8B  }
0xa2: {  	_ =	swait.ge [sflag:s23], $0x1  }
0xa3: {  	[sflag:s23] =	ssyncset.done $0x0  }
0xa4: {  	s25 =	simm.s32 $0x1B8E;
	s24 =	sld [smem:$0x3FFE];
	[sflag:s23] =	ssyncadd.s32 $0xFFFFFFFF  }
0xa5: {  	s26 =	simm.s32 $execute0_lowered;
	[smem:$0x3FD2] =	sst s25  }
0xa6: {  	s5 =	sshll.u32 s26, $0x1;
	_ =	strace $0x80000046;
	[dreg:$0x1] =	wrdreg $0xFFFFFFFF  }
0xa7: {  	s28 =	simm.s32 $_size_execute0_lowered;
	s3 =	sadd.s32 s3, s5;
	[dreg:$0x0] =	wrdreg $0x0  }
0xa8: {  	s5 =	sshll.u32 s28, $0x1;
	[dreg:$0x2] =	wrdreg s3  }
0xa9: {  	[dreg:$0x3] =	wrdreg s5  }
0xaa: {  	[dreg:$0x4] =	wrdreg $0xC0  }
0xab: {  	_ =	task [dreg:s7], $0x5FFFF  }
0xac: {  	[dreg:$0x1] =	wrdreg $0xFFFFFFFF  }
0xad: {  	[dreg:$0x0] =	wrdreg $0x60  }
0xae: {  	[dreg:$0x2] =	wrdreg s2  }
0xaf: {  	[dreg:$0x3] =	wrdreg s24  }
0xb0: {  	[dreg:$0x4] =	wrdreg $0x9  }
0xb1: {  	_ =	task.clear_ibuf [dreg:s7], $0x5FFFF;
	_ =	strace $0x90000046  }
0xb2: {  	s29 =	simm.s32 $0x9;
	_ =	strace $0x80000048  }
0xb3: {  	_ =	swait.ge [sflag:s29], $0x1  }
0xb4: {  	[sflag:s29] =	ssyncadd.s32 $0xFFFFFFFF  }
0xb5: {  	_ =	strace $0x90000048  }
0xb6: {  	_ =	sfence  }
0xb7: {  	s30 =	sld [smem:$0x0];
	_ =	sdelay $0x2  }
0xb8: {  	s31 =	sshll.u32 s1, $0xD;
	s1 =	sshrl.u32 s1, $0x2  }
0xb9: {  	s3 =	sand.u32 $0x4000, s31;
	s1 =	sadd.s32 s1, s30  }
0xba: {  	s0 =	sor.u32 s3, s0;
	s1 =	sshll.u32 s1, $0x11  }
0xbb: {  	s0 =	sor.u32 s1, s0  }
0xbc: {  	s0 =	sadd.s32 $0x8F2B, s0  }
0xbd: {  	[sflag:s0] =	ssyncadd.remote.s32 $0x1  }
0xbe: {  	_ =	sfence.sel $0xFFFF  }
0xbf: {  	[dreg:$0x0] =	wrdreg $0xFFFFFFFF;
	(pc) =	sbr.abs _section_cstart, $3  }
0xc0: {  	[dreg:$0x1] =	wrdreg $0xFFFFFFFF  }
0xc1: {  	_ =	task.clear_ibuf [dreg:s7], $0x2FFFF;
	_ =	strace $0x9FFFFFFF  }
0xc2: {  	(tm) =	ssettm $0x7FFFFFFF  }
0xc3: {  	_ =	shalt  }
tec
execute0_lowered:
.L_overlay_start_1:
0x0: {  	(tag) =	ssettag $0x1  }
0x1: {  	s1 =	rddreg [dreg:$0x0]  }
0x2: {  	s0 =	rddreg [dreg:$0x1];
	s3 =	simm.s32 $0x0  }
0x3: {  	s2 =	srdreg.scid;
	s7 =	stileid.u32;
	s9 =	simm.s32 $0x2  }
0x4: {  	s15 =	simm.s32 $0x180;
	s16 =	simm.s32 $0x980;
	s17 =	simm.s32 $0x1180  }
0x5: {  	s18 =	simm.s32 $0x1980;
	s19 =	simm.s32 $0x1;
	s20 =	simm.s32 $0x2180  }
0x6: {  	s21 =	simm.s32 $0x2980;
	s22 =	simm.s32 $0x3180;
	s23 =	simm.s32 $0x3980  }
0x7: {  	s24 =	simm.s32 $0x4180;
	s25 =	simm.s32 $0x4980;
	s26 =	simm.s32 $0x5180  }
0x8: {  	s28 =	simm.s32 $0x5980;
	s29 =	simm.s32 $0x6180;
	s2 =	sand.u32 $0x1, s2  }
0x9: {  	[smem:$0x7FF] =	sst s3;
	s4 =	sadd.s32 $0x103000, s0;
	s30 =	ssub.s32 $0x2, s2  }
0xa: {  	s5 =	sadd.s32 $0x3000, s0;
	s7 =	sshll.u32 s7, $0xC;
	s6 =	sshrl.u32 s30, $0x1  }
0xb: {  	v2 =	vlaneseq.u32;
	_ =	strace $0x80000047;
	s2 =	sshll.u32 s2, $0xB;
	s3 =	ssub.s32 s30, s6  }
0xc: {  	vm0 =	vmmov $0xffff;
	v1 =	vshrl.u32 v2, $0x3;
	s7 =	sor.u32 s2, s7;
	s2 =	simm.s32 $0x0;
	s31 =	smax.u32 s3, $0x1  }
0xd: {  	v0 =	vand.u32 $0x7, v2;
	v2 =	vor.u32 $0x8, v2;
	v1 =	vmul.u32 $0x8, v1;
	s6 =	sadd.s32 $0x109000, s0;
	s3 =	simm.s32 $0x0;
	[dreg:$0x3] =	wrdreg s31  }
.LBB2_1:
0xe: {  	[dreg:$0x4] =	wrdreg s2;
	s31 =	simm.s32 $0x0  }
.LBB2_2:
0xf: {  	s0 =	sshll.u32 s31, $0x5  }
0x10: {  	s0 =	sadd.s32 s7, s0  }
0x11: {  	s2 =	sshrl.u32 s0, $0x3  }
0x12: {  	s8 =	sadd.s32 s4, s2  }
0x13: {  	[tilespmem:s3], [sflag:$0x2] =	stream.linear.gather [hbm4b:s8+s3], $0x20, $0x38;
	[tilespmem:$0x8200] =	vst v63  }
0x14: {  	_ =	swait.ge [sflag:s9], $0x20  }
0x15: {  	s13 =	sor.u32 $0x2000, s2;
	[sflag:s9] =	ssyncset.done $0x0  }
0x16: {  	s11 =	simm.s32 $0x80;
	s10 =	sadd.s32 s4, s13;
	[sflag:s9] =	ssyncadd.s32 $0xFFFFFFE0  }
0x17: {  	[tilespmem:s11], [sflag:$0x2] =	stream.linear.gather [hbm4b:s10+s3], $0x20, $0x38;
	[tilespmem:$0x8200] =	vst v63  }
0x18: {  	_ =	swait.ge [sflag:s9], $0x20  }
0x19: {  	s10 =	sor.u32 $0x4000, s2;
	[sflag:s9] =	ssyncset.done $0x0  }
0x1a: {  	s12 =	simm.s32 $0x100;
	s14 =	sadd.s32 s4, s10;
	[sflag:s9] =	ssyncadd.s32 $0xFFFFFFE0  }
0x1b: {  	[tilespmem:s12], [sflag:$0x2] =	stream.linear.gather [hbm4b:s14+s3], $0x20, $0x38;
	[tilespmem:$0x8200] =	vst v63  }
0x1c: {  	_ =	swait.ge [sflag:s9], $0x20  }
0x1d: {  	[sflag:s9] =	ssyncset.done $0x0  }
0x1e: {  	s30 =	simm.s32 $0x8180;
	s2 =	sadd.s32 s5, s2;
	[sflag:s9] =	ssyncadd.s32 $0xFFFFFFE0  }
0x1f: {  	[tilespmem:s30], [sflag:$0x2] =	stream.linear.gather [hbm4b:s2+s3], $0x20, $0x38;
	[tilespmem:$0x8200] =	vst v63  }
0x20: {  	_ =	swait.ge [sflag:s9], $0x20  }
0x21: {  	[sflag:s9] =	ssyncset.done $0x0  }
0x22: {  	s12 =	sadd.s32 s5, s13;
	s13 =	simm.s32 $0x81A0;
	[sflag:s9] =	ssyncadd.s32 $0xFFFFFFE0  }
0x23: {  	[tilespmem:s13], [sflag:$0x2] =	stream.linear.gather [hbm4b:s12+s3], $0x20, $0x38;
	[tilespmem:$0x8200] =	vst v63  }
0x24: {  	_ =	swait.ge [sflag:s9], $0x20  }
0x25: {  	[sflag:s9] =	ssyncset.done $0x0  }
0x26: {  	s14 =	sadd.s32 s5, s10;
	s30 =	simm.s32 $0x81C0;
	[sflag:s9] =	ssyncadd.s32 $0xFFFFFFE0  }
0x27: {  	[tilespmem:s30], [sflag:$0x2] =	stream.linear.gather [hbm4b:s14+s3], $0x20, $0x38;
	[tilespmem:$0x8200] =	vst v63  }
0x28: {  	_ =	swait.ge [sflag:s9], $0x20  }
0x29: {  	[sflag:s9] =	ssyncset.done $0x0  }
0x2a: {  	[sflag:s9] =	ssyncadd.s32 $0xFFFFFFE0  }
0x2b: {  	v3 =	vld [tilespmem:$0x0];
	_ =	sdelay $0x4  }
0x2c: {  	v4 =	vshll.u32 v3, $0x1  }
0x2d: {  	v3 =	vand.u32 $0x7, v3;
	v4 =	vand.u32 $0xFFFFFFF0, v4  }
0x2e: {  	v3 =	vor.u32 v3, v4  }
0x2f: {  	v4 =	vperm.xlane v3, v0;
	_ =	sdelay $0x1  }
0x30: {  	v3 =	vperm.xlane v3, v2;
	v4 =	vadd.s32 v1, v4;
	_ =	sdelay $0x1  }
0x31: {  	v3 =	vadd.s32 v1, v3;
	_ =	sdelay $0x2  }
0x32: {  	[tilespmem:s15], [sflag:$0x1] =	stream.indirect_vreg.gather [hbm4b:s1+s3], $0x80, v4, vm0, $0xb8;
	[tilespmem:$0x8200] =	vst v63  }
0x33: {  	_ = 	snop  }
0x34: {  	[tilespmem:s16], [sflag:$0x1] =	stream.indirect_vreg.gather [hbm4b:s1+s3], $0x80, v3, vm0, $0xb8;
	[tilespmem:$0x8200] =	vst v63  }
0x35: {  	v3 =	vld [tilespmem:$0x10];
	_ =	sdelay $0x4  }
0x36: {  	v59 =	vshll.u32 v3, $0x1  }
0x37: {  	v3 =	vand.u32 $0x7, v3;
	v4 =	vand.u32 $0xFFFFFFF0, v59  }
0x38: {  	v3 =	vor.u32 v3, v4  }
0x39: {  	v4 =	vperm.xlane v3, v0;
	_ =	sdelay $0x1  }
0x3a: {  	v3 =	vperm.xlane v3, v2;
	v4 =	vadd.s32 v1, v4;
	_ =	sdelay $0x1  }
0x3b: {  	v3 =	vadd.s32 v1, v3;
	_ =	sdelay $0x2  }
0x3c: {  	[tilespmem:s17], [sflag:$0x1] =	stream.indirect_vreg.gather [hbm4b:s1+s3], $0x80, v4, vm0, $0xb8;
	[tilespmem:$0x8200] =	vst v63  }
0x3d: {  	_ = 	snop  }
0x3e: {  	[tilespmem:s18], [sflag:$0x1] =	stream.indirect_vreg.gather [hbm4b:s1+s3], $0x80, v3, vm0, $0xb8;
	[tilespmem:$0x8200] =	vst v63  }
0x3f: {  	_ =	swait.ge [sflag:s19], $0x2000  }
0x40: {  	[sflag:s19] =	ssyncset.done $0x0  }
0x41: {  	[sflag:s19] =	ssyncadd.s32 $0xFFFFE000  }
0x42: {  	v3 =	vld [tilespmem:$0x80];
	_ =	sdelay $0x4  }
0x43: {  	v60 =	vshll.u32 v3, $0x1  }
0x44: {  	v3 =	vand.u32 $0x7, v3;
	v4 =	vand.u32 $0xFFFFFFF0, v60  }
0x45: {  	v3 =	vor.u32 v3, v4  }
0x46: {  	v4 =	vperm.xlane v3, v0;
	_ =	sdelay $0x1  }
0x47: {  	v3 =	vperm.xlane v3, v2;
	v4 =	vadd.s32 v1, v4;
	_ =	sdelay $0x1  }
0x48: {  	v3 =	vadd.s32 v1, v3;
	_ =	sdelay $0x2  }
0x49: {  	[tilespmem:s20], [sflag:$0x1] =	stream.indirect_vreg.gather [hbm4b:s1+s3], $0x80, v4, vm0, $0xb8;
	[tilespmem:$0x8200] =	vst v63  }
0x4a: {  	_ = 	snop  }
0x4b: {  	[tilespmem:s21], [sflag:$0x1] =	stream.indirect_vreg.gather [hbm4b:s1+s3], $0x80, v3, vm0, $0xb8;
	[tilespmem:$0x8200] =	vst v63  }
0x4c: {  	v3 =	vld [tilespmem:$0x90];
	_ =	sdelay $0x4  }
0x4d: {  	v61 =	vshll.u32 v3, $0x1  }
0x4e: {  	v3 =	vand.u32 $0x7, v3;
	v4 =	vand.u32 $0xFFFFFFF0, v61  }
0x4f: {  	v3 =	vor.u32 v3, v4  }
0x50: {  	v4 =	vperm.xlane v3, v0;
	_ =	sdelay $0x1  }
0x51: {  	v3 =	vperm.xlane v3, v2;
	v4 =	vadd.s32 v1, v4;
	_ =	sdelay $0x1  }
0x52: {  	v3 =	vadd.s32 v1, v3;
	_ =	sdelay $0x2  }
0x53: {  	[tilespmem:s22], [sflag:$0x1] =	stream.indirect_vreg.gather [hbm4b:s1+s3], $0x80, v4, vm0, $0xb8;
	[tilespmem:$0x8200] =	vst v63  }
0x54: {  	_ = 	snop  }
0x55: {  	[tilespmem:s23], [sflag:$0x1] =	stream.indirect_vreg.gather [hbm4b:s1+s3], $0x80, v3, vm0, $0xb8;
	[tilespmem:$0x8200] =	vst v63  }
0x56: {  	_ =	swait.ge [sflag:s19], $0x2000  }
0x57: {  	[sflag:s19] =	ssyncset.done $0x0  }
0x58: {  	[sflag:s19] =	ssyncadd.s32 $0xFFFFE000  }
0x59: {  	v3 =	vld [tilespmem:$0x100];
	_ =	sdelay $0x4  }
0x5a: {  	v62 =	vshll.u32 v3, $0x1  }
0x5b: {  	v3 =	vand.u32 $0x7, v3;
	v4 =	vand.u32 $0xFFFFFFF0, v62  }
0x5c: {  	v3 =	vor.u32 v3, v4  }
0x5d: {  	v4 =	vperm.xlane v3, v0;
	_ =	sdelay $0x1  }
0x5e: {  	v3 =	vperm.xlane v3, v2;
	v4 =	vadd.s32 v1, v4;
	_ =	sdelay $0x1  }
0x5f: {  	v3 =	vadd.s32 v1, v3;
	_ =	sdelay $0x2  }
0x60: {  	[tilespmem:s24], [sflag:$0x1] =	stream.indirect_vreg.gather [hbm4b:s1+s3], $0x80, v4, vm0, $0xb8;
	[tilespmem:$0x8200] =	vst v63  }
0x61: {  	_ = 	snop  }
0x62: {  	[tilespmem:s25], [sflag:$0x1] =	stream.indirect_vreg.gather [hbm4b:s1+s3], $0x80, v3, vm0, $0xb8;
	[tilespmem:$0x8200] =	vst v63  }
0x63: {  	v3 =	vld [tilespmem:$0x110];
	_ =	sdelay $0x4  }
0x64: {  	v63 =	vshll.u32 v3, $0x1  }
0x65: {  	v3 =	vand.u32 $0x7, v3;
	v4 =	vand.u32 $0xFFFFFFF0, v63  }
0x66: {  	v3 =	vor.u32 v3, v4  }
0x67: {  	v4 =	vperm.xlane v3, v0;
	_ =	sdelay $0x1  }
0x68: {  	v3 =	vperm.xlane v3, v2;
	v4 =	vadd.s32 v1, v4;
	_ =	sdelay $0x1  }
0x69: {  	v3 =	vadd.s32 v1, v3;
	_ =	sdelay $0x2  }
0x6a: {  	[tilespmem:s26], [sflag:$0x1] =	stream.indirect_vreg.gather [hbm4b:s1+s3], $0x80, v4, vm0, $0xb8;
	[tilespmem:$0x8200] =	vst v63  }
0x6b: {  	_ = 	snop  }
0x6c: {  	[tilespmem:s28], [sflag:$0x1] =	stream.indirect_vreg.gather [hbm4b:s1+s3], $0x80, v3, vm0, $0xb8;
	[tilespmem:$0x8200] =	vst v63  }
0x6d: {  	_ =	swait.ge [sflag:s19], $0x2000  }
0x6e: {  	[sflag:s19] =	ssyncset.done $0x0  }
0x6f: {  	s8 =	simm.s32 $0x0;
	[sflag:s19] =	ssyncadd.s32 $0xFFFFE000  }
.LBB2_3:
0x70: {  	s2 =	sshll.u32 s8, $0x8;
	s10 =	sshll.u32 s8, $0x7  }
0x71: {  	s2 =	sand.u32 $0x1800, s2;
	s10 =	sand.u32 $0x380, s10  }
0x72: {  	s12 =	sand.u32 $0x400, s3;
	s2 =	sor.u32 s2, s10  }
0x73: {  	v3 =	vld.msk [tilespmem:s8+$0x8180 ss:$0x0], $0xffff;
	s11 =	sand.u32 $0x70, s3;
	s10 =	sor.u32 s12, s2  }
0x74: {  	v4 =	vld.msk [tilespmem:s8+$0x81A0 ss:$0x0], $0xffff;
	s30 =	sor.u32 s11, s10  }
0x75: {  	v6 =	vld [tilespmem:s30+$0x180]  }
0x76: {  	v7 =	vld [tilespmem:s30+$0x2180]  }
0x77: {  	v5 =	vld.msk [tilespmem:s8+$0x81C0 ss:$0x0], $0xffff;
	s13 =	simm.s32 $0x80  }
0x78: {  	s14 =	simm.s32 $0x10;
	s10 =	sand.u32 $0x400, s13;
	v9 =	vld [tilespmem:s30+$0x4180]  }
0x79: {  	s11 =	sand.u32 $0x70, s14;
	s10 =	sor.u32 s10, s2  }
0x7a: {  	s10 =	sor.u32 s11, s10  }
0x7b: {  	v8 =	vmul.f32 v6, v3;
	v10 =	vmul.f32 v7, v4;
	v6 =	vld [tilespmem:s10+$0x180]  }
0x7c: {  	v7 =	vld [tilespmem:s10+$0x2180]  }
0x7d: {  	s12 =	simm.s32 $0x100;
	s11 =	simm.s32 $0x20;
	v9 =	vmul.f32 v9, v5;
	v8 =	vadd.f32 v10, v8  }
.LBB2_4:
0x7e: {  	s13 =	sand.u32 $0x70, s11;
	s14 =	sand.u32 $0x400, s12;
	v10 =	vld [tilespmem:s10+$0x4180];
	p0 =	sne.s32 s11, $0xF0  }
.Ltmp0:
0x7f: {  	s11 =	sadd.s32 $0x10, s11;
	s14 =	sor.u32 s14, s2;
	v8 =	vadd.f32 v9, v8;
	(pc) =	sbr.rel @p0 .LBB2_4-.Ltmp0, $4  }
0x80: {  	s13 =	sor.u32 s13, s14  }
0x81: {  	v9 =	vmul.f32 v6, v3;
	v6 =	vld [tilespmem:s13+$0x180];
	v11 =	vmul.f32 v7, v4;
	[tilespmem:s30+$0x6180] =	vst v8;
	s30 =	smov.u32 s10;
	s10 =	smov.u32 s13  }
0x82: {  	v7 =	vld [tilespmem:s10+$0x2180]  }
0x83: {  	s12 =	sadd.s32 $0x80, s12;
	v8 =	vadd.f32 v11, v9;
	v9 =	vmul.f32 v10, v5  }
0x84: {  	v10 =	vld [tilespmem:s10+$0x4180];
	_ =	sdelay $0x2  }
0x85: {  	s8 =	sadd.s32 $0x1, s8;
	v3 =	vmul.f32 v6, v3;
	v4 =	vmul.f32 v7, v4  }
0x86: {  	p0 =	sne.s32 s8, $0x20  }
.Ltmp1:
0x87: {  	v3 =	vadd.f32 v4, v3;
	v62 =	vmul.f32 v10, v5;
	(pc) =	sbr.rel @p0 .LBB2_3-.Ltmp1, $4  }
0x88: {  	v63 =	vadd.f32 v9, v8  }
0x89: {  	v3 =	vadd.f32 v62, v3  }
0x8a: {  	[tilespmem:s30+$0x6180] =	vst v63  }
0x8b: {  	[tilespmem:s10+$0x6180] =	vst v3  }
0x8c: {  	s31 =	sadd.s32 $0x1, s31  }
0x8d: {  	s0 =	sshll.u32 s0, $0x5;
	p0 =	sne.s32 s31, $0x40  }
.Ltmp2:
0x8e: {  	s2 =	simm.s32 $0x0;
	s0 =	sadd.s32 s6, s0;
	(pc) =	sbr.rel @p0 .LBB2_2-.Ltmp2, $4  }
0x8f: {  	[hbm4b:s0+s2] =	stream.linear.scatter [tilespmem:s29], [sflag:$0x2], $0x2000, $0x38;
	[tilespmem:$0x8200] =	vst v63  }
0x90: {  	_ =	swait.ge [sflag:s9], $0x2000  }
0x91: {  	[sflag:s9] =	ssyncset.done $0x0  }
0x92: {  	[sflag:s9] =	ssyncadd.s32 $0xFFFFE000  }
0x93: {  	s2 =	rddreg [dreg:$0x4]  }
0x94: {  	s0 =	rddreg [dreg:$0x3];
	s2 =	sadd.s32 $0x1, s2  }
0x95: {  	p0 =	sne.s32 s2, s0  }
.Ltmp3:
0x96: {  	_ = 	snop;
	(pc) =	sbr.rel @p0 .LBB2_1-.Ltmp3, $1  }
0x97: {  	_ =	sdelay $0x3  }
0x98: {  	_ =	sfence.sel $0x180000  }
0x99: {  	[bflag:$0x0] =	sbarrier.arrive $0xFFFF  }
0x9a: {  	_ =	strace $0x90000047  }
0x9b: {  	s0 =	stileid.u32;
	[bflag:$0x2] =	sbarrier.arrive $0xFFFF  }
0x9c: {  	p0 =	sne.s32 s0, $0x0;
	s0 =	rddreg [dreg:$0x2]  }
0x9d: {  	s0 =	sadd.s32 @!p0 $0x100000, s0  }
0x9e: {  	[sflag:s0] =	ssyncadd.tile.s32 @!p0 $0x1;
	_ =	shalt  }
.Lfunc_end2:
_tile_overlayer_lowered:
.L_overlay_start_2:
0x9f: {  	(tag) =	ssettag $0x2  }
0xa0: {  	s0 =	rddreg [dreg:$0x0];
	s2 =	stileid.u32  }
0xa1: {  	s1 =	rddreg [dreg:$0x1];
	p0 =	sne.s32 s2, $0x0  }
0xa2: {  	s3 =	rddreg [dreg:$0x2];
	[bflag:$0x3] =	sbarrier.arrive $0xFFFF;
	s2 =	simm.s32 @!p0 $0x1C02  }
0xa3: {  	[timem:s3], [sflag:s2] =	dma.local @!p0 [hbm:s0], s1  }
0xa4: {  	s0 =	simm.s32 @!p0 $0x2  }
0xa5: {  	_ =	swait.ge @!p0 [sflag:s0], s1  }
0xa6: {  	s1 =	ssub.s32 @!p0 $0x0, s1;
	[sflag:s0] =	ssyncset.done @!p0 $0x0  }
0xa7: {  	[sflag:s0] =	ssyncadd.s32 @!p0 s1  }
0xa8: {  	[bflag:$0x3] =	sbarrier.arrive $0xFFFF  }
0xa9: {  	_ =	shalt  }

</sc_bundles>
